<compile_context>
chip_gen: v7x
topology: tpu7x:2x2x1
jax: 0.10.2.dev20260603
libtpu: 0.0.44.dev20260713+nightly
codegen_flags: <defaults>
</compile_context>

<pallas_src>
import functools

import jax
import jax.numpy as jnp
from jax import lax
from jax.experimental import pallas as pl
from jax.experimental.pallas import tpu as pltpu
from jax.experimental.pallas import tpu_sc as plsc

_NC = 2
_NS = 16
_NW = _NC * _NS
_CH = 256


def _sc_seq_update(xw, eaw, src, dst, n_nodes, lpw):
    E = src.shape[0]
    nch = E // _CH
    assert E % _CH == 0

    mesh = plsc.VectorSubcoreMesh(core_axis_name="c", subcore_axis_name="s")

    @functools.partial(
        pl.kernel,
        mesh=mesh,
        compiler_params=pltpu.CompilerParams(
            use_tc_tiling_on_sc=False, needs_layout_passes=False),
        out_type=jax.ShapeDtypeStruct((_NW, n_nodes * lpw), jnp.float32),
        scratch_types=[
            pltpu.VMEM((n_nodes * lpw,), jnp.float32),
            pltpu.VMEM((2, _CH * lpw), jnp.float32),
            pltpu.VMEM((2, _CH), jnp.int32),
            pltpu.VMEM((2, _CH), jnp.int32),
            pltpu.SemaphoreType.DMA((2,)),
        ],
    )
    def run(x_hbm, ea_hbm, src_hbm, dst_hbm, out_hbm, temp, eabuf, sbuf, dbuf, sem):
        wid = lax.axis_index("s") * _NC + lax.axis_index("c")

        pltpu.sync_copy(x_hbm.at[wid], temp)

        lane = lax.broadcasted_iota(jnp.int32, (16,), 0)
        msk = lane < lpw
        col = jnp.where(msk, lane, 0)

        def dmas(g, b):
            return (
                pltpu.make_async_copy(
                    ea_hbm.at[wid, pl.ds(g * _CH * lpw, _CH * lpw)],
                    eabuf.at[b], sem.at[b]),
                pltpu.make_async_copy(
                    src_hbm.at[pl.ds(g * _CH, _CH)], sbuf.at[b], sem.at[b]),
                pltpu.make_async_copy(
                    dst_hbm.at[pl.ds(g * _CH, _CH)], dbuf.at[b], sem.at[b]),
            )

        def issue(g, b):
            for d in dmas(g, b):
                d.start()

        def wait(g, b):
            for d in dmas(g, b):
                d.wait()

        def process(b):
            def edge(k, ebase):
                kk = jnp.full((16,), k, jnp.int32)
                s = plsc.load_gather(sbuf.at[b], [kk])
                d = plsc.load_gather(dbuf.at[b], [kk])
                row = plsc.load_gather(temp, [s + col], mask=msk)
                e = plsc.load_gather(eabuf.at[b], [ebase + col], mask=msk)
                plsc.store_scatter(temp, [d + col], row - e, mask=msk)
                return ebase + lpw
            lax.fori_loop(0, _CH, edge, jnp.zeros((16,), jnp.int32))

        issue(0, 0)

        def pair(p, carry):
            g0 = 2 * p

            @pl.when(g0 + 1 < nch)
            def _():
                issue(g0 + 1, 1)

            wait(g0, 0)
            process(0)

            @pl.when(g0 + 2 < nch)
            def _():
                issue(g0 + 2, 0)

            @pl.when(g0 + 1 < nch)
            def _():
                wait(g0 + 1, 1)
                process(1)

            return carry

        lax.fori_loop(0, (nch + 1) // 2, pair, 0)

        pltpu.sync_copy(temp, out_hbm.at[wid])

    return run(xw, eaw, src, dst)


def kernel(x, edge_attr, edge_index):
    T, N, D = x.shape
    E = edge_attr.shape[1]
    ncols = (T - 1) * D
    lpw = ncols // _NW
    assert ncols % _NW == 0

    xw = (x[:-1].transpose(1, 0, 2).reshape(N, _NW, lpw)
          .transpose(1, 0, 2).reshape(_NW, N * lpw))
    eaw = (edge_attr.transpose(1, 0, 2).reshape(E, _NW, lpw)
           .transpose(1, 0, 2).reshape(_NW, E * lpw))
    src = edge_index[0].astype(jnp.int32) * lpw
    dst = edge_index[1].astype(jnp.int32) * lpw

    out = _sc_seq_update(xw, eaw, src, dst, N, lpw)
    updated = (out.reshape(_NW, N, lpw).transpose(1, 0, 2).reshape(N, T - 1, D)
               .transpose(1, 0, 2))
    return jnp.concatenate([x[:1], updated], axis=0)

# --- scband reference (transcript-rebuilt; emitter-appended) ---
"""Pipeline reference for scband-gnnmodel-23527830847722 (READ-ONLY COPY).

The authoritative reference and input builder live on the scoring server;
editing this copy changes nothing except your own understanding.
"""

import jax, jax.numpy as jnp
import numpy as np

T = 4
N = 10000
E = 160000
D = 128


def setup_inputs(seed: int = 0) -> dict:
    key = jax.random.key(seed)
    k1, k2, k3 = jax.random.split(key, 3)
    x = jax.random.normal(k1, (T, N, D), dtype=jnp.float32)
    edge_attr = jax.random.normal(k2, (T - 1, E, D), dtype=jnp.float32)
    edge_index = jax.random.randint(k3, (2, E), 0, N)
    return {"x": x, "edge_attr": edge_attr, "edge_index": edge_index}


def reference(x, edge_attr, edge_index):
    # Faithful translation of the sequential per-edge update:
    #   for t in 1..T-1:
    #       temp_x = x[t-1].copy()
    #       for i in range(E):
    #           temp_x[dst[i]] = temp_x[src[i]] - edge_attr[t-1, i]
    #       updated_x[t] = temp_x
    # Later edges in the same timestep read values written by earlier edges,
    # so the edge loop must be sequential -> lax.scan over edges.
    # Each timestep starts from the ORIGINAL x[t-1], so timesteps are
    # independent and can be vmapped.
    src = edge_index[0]
    dst = edge_index[1]

    def per_timestep(x_prev, ea_t):
        def edge_step(temp_x, inp):
            s, d, e = inp
            temp_x = temp_x.at[d].set(temp_x[s] - e)
            return temp_x, None
        temp_x, _ = jax.lax.scan(edge_step, x_prev, (src, dst, ea_t))
        return temp_x

    updated = jax.vmap(per_timestep)(x[:-1], edge_attr)
    updated_x = jnp.concatenate([x[:1], updated], axis=0)
    return updated_x

if __name__ == "__main__":
    import jax
    _d = setup_inputs()
    print(jax.jit(kernel)(*tuple(_d.values())))

</pallas_src>

<mosaic_0001>
#map = affine_map<(d0, d1) -> (0, 0)>
#map1 = affine_map<(d0, d1) -> (0)>
module attributes {stable_mosaic.version = 14 : i64} {
  func.func @run(%arg0: i32, %arg1: i32, %arg2: memref<32x120000xf32, #tpu.memory_space<hbm>>, %arg3: memref<32x1920000xf32, #tpu.memory_space<hbm>>, %arg4: memref<160000xi32, #tpu.memory_space<hbm>>, %arg5: memref<160000xi32, #tpu.memory_space<hbm>>, %arg6: memref<32x120000xf32, #tpu.memory_space<hbm>>, %arg7: memref<120000xf32, #tpu.memory_space<vmem>>, %arg8: memref<2x3072xf32, #tpu.memory_space<vmem>>, %arg9: memref<2x256xi32, #tpu.memory_space<vmem>>, %arg10: memref<2x256xi32, #tpu.memory_space<vmem>>, %arg11: memref<2x!tpu.dma_semaphore, #tpu.memory_space<semaphore_mem>>) attributes {dimension_semantics = [#tpu.dimension_semantics<core_parallel>, #tpu.dimension_semantics<subcore_parallel>], iteration_bounds = array<i64: 2, 16>, scalar_prefetch = 0 : i64, scratch_operands = 5 : i64, tpu.core_type = #tpu.core_type<sc_vector_subcore>, window_params = [{transform_indices = #map}, {transform_indices = #map}, {transform_indices = #map1}, {transform_indices = #map1}, {transform_indices = #map}]} {
    %mul3A = arith.constant 2 : i32
    %mul3A_0 = arith.muli %arg1, %mul3A : i32
    %add3A = arith.addi %mul3A_0, %arg0 : i32
    "tpu.region"() ({
      %run_scoped3A = tpu.sem_alloc : memref<!tpu.dma_semaphore, #tpu.memory_space<semaphore_mem>>
      %dma_start3A_51 = arith.constant 0 : i32
      %dma_start3A_52 = tpu.memref_slice %arg2[%add3A, %dma_start3A_51] : memref<32x120000xf32, #tpu.memory_space<hbm>> -> memref<1x120000xf32, #tpu.memory_space<hbm>>
      %dma_start3A_53 = tpu.memref_squeeze %dma_start3A_52 : memref<1x120000xf32, #tpu.memory_space<hbm>> -> memref<120000xf32, #tpu.memory_space<hbm>>
      %dma_start3A_54 = arith.constant 0 : i32
      %dma_start3A_55 = tpu.memref_slice %arg2[%add3A, %dma_start3A_54] : memref<32x120000xf32, #tpu.memory_space<hbm>> -> memref<1x120000xf32, #tpu.memory_space<hbm>>
      %dma_start3A_56 = tpu.memref_squeeze %dma_start3A_55 : memref<1x120000xf32, #tpu.memory_space<hbm>> -> memref<120000xf32, #tpu.memory_space<hbm>>
      tpu.enqueue_dma source(%dma_start3A_56 : memref<120000xf32, #tpu.memory_space<hbm>>) target(%arg7 : memref<120000xf32, #tpu.memory_space<vmem>>) target_semaphore(%run_scoped3A : memref<!tpu.dma_semaphore, #tpu.memory_space<semaphore_mem>>)
      %dma_wait3A = arith.constant 0 : i32
      %dma_wait3A_57 = tpu.memref_slice %arg2[%add3A, %dma_wait3A] : memref<32x120000xf32, #tpu.memory_space<hbm>> -> memref<1x120000xf32, #tpu.memory_space<hbm>>
      %dma_wait3A_58 = tpu.memref_squeeze %dma_wait3A_57 : memref<1x120000xf32, #tpu.memory_space<hbm>> -> memref<120000xf32, #tpu.memory_space<hbm>>
      %dma_wait3A_59 = arith.constant 0 : i32
      %dma_wait3A_60 = tpu.memref_slice %arg2[%add3A, %dma_wait3A_59] : memref<32x120000xf32, #tpu.memory_space<hbm>> -> memref<1x120000xf32, #tpu.memory_space<hbm>>
      %dma_wait3A_61 = tpu.memref_squeeze %dma_wait3A_60 : memref<1x120000xf32, #tpu.memory_space<hbm>> -> memref<120000xf32, #tpu.memory_space<hbm>>
      tpu.wait_dma2 semaphore(%run_scoped3A : memref<!tpu.dma_semaphore, #tpu.memory_space<semaphore_mem>>) src(%dma_wait3A_61 : memref<120000xf32, #tpu.memory_space<hbm>>) dst(%arg7 : memref<120000xf32, #tpu.memory_space<vmem>>)
      tpu.yield
    }) : () -> ()
    %iota3A = tpu.iota {dimensions = array<i32: 0>} : vector<16xi32>
    %lt3A = arith.constant 12 : i32
    %lt3A_1 = vector.broadcast %lt3A : i32 to vector<16xi32>
    %lt3A_2 = arith.cmpi slt, %iota3A, %lt3A_1 : vector<16xi32>
    %jit3A = arith.constant 0 : i32
    %broadcast_in_dim3A = vector.broadcast %jit3A : i32 to vector<16xi32>
    %select_n3A = arith.select %lt3A_2, %iota3A, %broadcast_in_dim3A : vector<16xi1>, vector<16xi32>
    %dma_start3A = arith.constant 0 : i32
    %dma_start3A_3 = arith.constant 0 : i32
    %dma_start3A_4 = arith.constant 0 : i32
    %dma_start3A_5 = tpu.memref_slice %arg8[%dma_start3A, %dma_start3A_4] : memref<2x3072xf32, #tpu.memory_space<vmem>> -> memref<1x3072xf32, #tpu.memory_space<vmem>>
    %dma_start3A_6 = tpu.memref_squeeze %dma_start3A_5 : memref<1x3072xf32, #tpu.memory_space<vmem>> -> memref<3072xf32, #tpu.memory_space<vmem>>
    %dma_start3A_7 = arith.constant 0 : i32
    %dma_start3A_8 = tpu.memref_slice %arg3[%add3A, %dma_start3A_7] : memref<32x1920000xf32, #tpu.memory_space<hbm>> -> memref<1x3072xf32, #tpu.memory_space<hbm>>
    %dma_start3A_9 = tpu.memref_squeeze %dma_start3A_8 : memref<1x3072xf32, #tpu.memory_space<hbm>> -> memref<3072xf32, #tpu.memory_space<hbm>>
    %dma_start3A_10 = tpu.memref_slice %arg11[%dma_start3A_3] : memref<2x!tpu.dma_semaphore, #tpu.memory_space<semaphore_mem>> -> memref<1x!tpu.dma_semaphore, #tpu.memory_space<semaphore_mem>>
    %dma_start3A_11 = tpu.memref_squeeze %dma_start3A_10 : memref<1x!tpu.dma_semaphore, #tpu.memory_space<semaphore_mem>> -> memref<!tpu.dma_semaphore, #tpu.memory_space<semaphore_mem>>
    %dma_start3A_12 = arith.constant 0 : i32
    %dma_start3A_13 = tpu.memref_slice %arg8[%dma_start3A, %dma_start3A_12] : memref<2x3072xf32, #tpu.memory_space<vmem>> -> memref<1x3072xf32, #tpu.memory_space<vmem>>
    %dma_start3A_14 = tpu.memref_squeeze %dma_start3A_13 : memref<1x3072xf32, #tpu.memory_space<vmem>> -> memref<3072xf32, #tpu.memory_space<vmem>>
    %dma_start3A_15 = arith.constant 0 : i32
    %dma_start3A_16 = tpu.memref_slice %arg3[%add3A, %dma_start3A_15] : memref<32x1920000xf32, #tpu.memory_space<hbm>> -> memref<1x3072xf32, #tpu.memory_space<hbm>>
    %dma_start3A_17 = tpu.memref_squeeze %dma_start3A_16 : memref<1x3072xf32, #tpu.memory_space<hbm>> -> memref<3072xf32, #tpu.memory_space<hbm>>
    tpu.enqueue_dma source(%dma_start3A_17 : memref<3072xf32, #tpu.memory_space<hbm>>) target(%dma_start3A_14 : memref<3072xf32, #tpu.memory_space<vmem>>) target_semaphore(%dma_start3A_11 : memref<!tpu.dma_semaphore, #tpu.memory_space<semaphore_mem>>)
    %dma_start3A_18 = arith.constant 0 : i32
    %dma_start3A_19 = arith.constant 0 : i32
    %dma_start3A_20 = arith.constant 0 : i32
    %dma_start3A_21 = tpu.memref_slice %arg9[%dma_start3A_18, %dma_start3A_20] : memref<2x256xi32, #tpu.memory_space<vmem>> -> memref<1x256xi32, #tpu.memory_space<vmem>>
    %dma_start3A_22 = tpu.memref_squeeze %dma_start3A_21 : memref<1x256xi32, #tpu.memory_space<vmem>> -> memref<256xi32, #tpu.memory_space<vmem>>
    %dma_start3A_23 = arith.constant 0 : i32
    %dma_start3A_24 = tpu.memref_slice %arg4[%dma_start3A_23] : memref<160000xi32, #tpu.memory_space<hbm>> -> memref<256xi32, #tpu.memory_space<hbm>>
    %dma_start3A_25 = tpu.memref_slice %arg11[%dma_start3A_19] : memref<2x!tpu.dma_semaphore, #tpu.memory_space<semaphore_mem>> -> memref<1x!tpu.dma_semaphore, #tpu.memory_space<semaphore_mem>>
    %dma_start3A_26 = tpu.memref_squeeze %dma_start3A_25 : memref<1x!tpu.dma_semaphore, #tpu.memory_space<semaphore_mem>> -> memref<!tpu.dma_semaphore, #tpu.memory_space<semaphore_mem>>
    %dma_start3A_27 = arith.constant 0 : i32
    %dma_start3A_28 = tpu.memref_slice %arg9[%dma_start3A_18, %dma_start3A_27] : memref<2x256xi32, #tpu.memory_space<vmem>> -> memref<1x256xi32, #tpu.memory_space<vmem>>
    %dma_start3A_29 = tpu.memref_squeeze %dma_start3A_28 : memref<1x256xi32, #tpu.memory_space<vmem>> -> memref<256xi32, #tpu.memory_space<vmem>>
    %dma_start3A_30 = arith.constant 0 : i32
    %dma_start3A_31 = tpu.memref_slice %arg4[%dma_start3A_30] : memref<160000xi32, #tpu.memory_space<hbm>> -> memref<256xi32, #tpu.memory_space<hbm>>
    tpu.enqueue_dma source(%dma_start3A_31 : memref<256xi32, #tpu.memory_space<hbm>>) target(%dma_start3A_29 : memref<256xi32, #tpu.memory_space<vmem>>) target_semaphore(%dma_start3A_26 : memref<!tpu.dma_semaphore, #tpu.memory_space<semaphore_mem>>)
    %dma_start3A_32 = arith.constant 0 : i32
    %dma_start3A_33 = arith.constant 0 : i32
    %dma_start3A_34 = arith.constant 0 : i32
    %dma_start3A_35 = tpu.memref_slice %arg10[%dma_start3A_32, %dma_start3A_34] : memref<2x256xi32, #tpu.memory_space<vmem>> -> memref<1x256xi32, #tpu.memory_space<vmem>>
    %dma_start3A_36 = tpu.memref_squeeze %dma_start3A_35 : memref<1x256xi32, #tpu.memory_space<vmem>> -> memref<256xi32, #tpu.memory_space<vmem>>
    %dma_start3A_37 = arith.constant 0 : i32
    %dma_start3A_38 = tpu.memref_slice %arg5[%dma_start3A_37] : memref<160000xi32, #tpu.memory_space<hbm>> -> memref<256xi32, #tpu.memory_space<hbm>>
    %dma_start3A_39 = tpu.memref_slice %arg11[%dma_start3A_33] : memref<2x!tpu.dma_semaphore, #tpu.memory_space<semaphore_mem>> -> memref<1x!tpu.dma_semaphore, #tpu.memory_space<semaphore_mem>>
    %dma_start3A_40 = tpu.memref_squeeze %dma_start3A_39 : memref<1x!tpu.dma_semaphore, #tpu.memory_space<semaphore_mem>> -> memref<!tpu.dma_semaphore, #tpu.memory_space<semaphore_mem>>
    %dma_start3A_41 = arith.constant 0 : i32
    %dma_start3A_42 = tpu.memref_slice %arg10[%dma_start3A_32, %dma_start3A_41] : memref<2x256xi32, #tpu.memory_space<vmem>> -> memref<1x256xi32, #tpu.memory_space<vmem>>
    %dma_start3A_43 = tpu.memref_squeeze %dma_start3A_42 : memref<1x256xi32, #tpu.memory_space<vmem>> -> memref<256xi32, #tpu.memory_space<vmem>>
    %dma_start3A_44 = arith.constant 0 : i32
    %dma_start3A_45 = tpu.memref_slice %arg5[%dma_start3A_44] : memref<160000xi32, #tpu.memory_space<hbm>> -> memref<256xi32, #tpu.memory_space<hbm>>
    tpu.enqueue_dma source(%dma_start3A_45 : memref<256xi32, #tpu.memory_space<hbm>>) target(%dma_start3A_43 : memref<256xi32, #tpu.memory_space<vmem>>) target_semaphore(%dma_start3A_40 : memref<!tpu.dma_semaphore, #tpu.memory_space<semaphore_mem>>)
    %scan3A = arith.constant 0 : i32
    %scan3A_46 = arith.constant 0 : i32
    %scan3A_47 = arith.constant 313 : i32
    %scan3A_48 = arith.addi %scan3A_46, %scan3A_47 : i32
    %scan3A_49 = arith.constant 1 : i32
    scf.for %scan3A_51 = %scan3A_46 to %scan3A_48 step %scan3A_49  : i32 {
      %mul3A_52 = arith.constant 2 : i32
      %mul3A_53 = arith.muli %mul3A_52, %scan3A_51 : i32
      %add3A_54 = arith.constant 1 : i32
      %add3A_55 = arith.addi %mul3A_53, %add3A_54 : i32
      %lt3A_56 = arith.constant 625 : i32
      %lt3A_57 = arith.cmpi slt, %add3A_55, %lt3A_56 : i32
      %convert_element_type3A = arith.extui %lt3A_57 : i1 to i32
      %cond3A = arith.constant 0 : i32
      %cond3A_58 = arith.cmpi ne, %convert_element_type3A, %cond3A : i32
      scf.if %cond3A_58 {
        %add3A_126 = arith.constant 1 : i32
        %add3A_127 = arith.addi %mul3A_53, %add3A_126 : i32
        %mul3A_128 = arith.constant 256 : i32
        %mul3A_129 = arith.muli %add3A_127, %mul3A_128 : i32
        %mul3A_130 = arith.constant 12 : i32
        %mul3A_131 = arith.muli %mul3A_129, %mul3A_130 : i32
        %mul3A_132 = arith.constant 256 : i32
        %mul3A_133 = arith.muli %add3A_127, %mul3A_132 : i32
        %mul3A_134 = arith.constant 256 : i32
        %mul3A_135 = arith.muli %add3A_127, %mul3A_134 : i32
        %dma_start3A_136 = arith.constant 1 : i32
        %dma_start3A_137 = arith.constant 1 : i32
        %dma_start3A_138 = arith.constant 0 : i32
        %dma_start3A_139 = tpu.memref_slice %arg8[%dma_start3A_136, %dma_start3A_138] : memref<2x3072xf32, #tpu.memory_space<vmem>> -> memref<1x3072xf32, #tpu.memory_space<vmem>>
        %dma_start3A_140 = tpu.memref_squeeze %dma_start3A_139 : memref<1x3072xf32, #tpu.memory_space<vmem>> -> memref<3072xf32, #tpu.memory_space<vmem>>
        %dma_start3A_141 = tpu.memref_slice %arg3[%add3A, %mul3A_131] : memref<32x1920000xf32, #tpu.memory_space<hbm>> -> memref<1x3072xf32, #tpu.memory_space<hbm>>
        %dma_start3A_142 = tpu.memref_squeeze %dma_start3A_141 : memref<1x3072xf32, #tpu.memory_space<hbm>> -> memref<3072xf32, #tpu.memory_space<hbm>>
        %dma_start3A_143 = tpu.memref_slice %arg11[%dma_start3A_137] : memref<2x!tpu.dma_semaphore, #tpu.memory_space<semaphore_mem>> -> memref<1x!tpu.dma_semaphore, #tpu.memory_space<semaphore_mem>>
        %dma_start3A_144 = tpu.memref_squeeze %dma_start3A_143 : memref<1x!tpu.dma_semaphore, #tpu.memory_space<semaphore_mem>> -> memref<!tpu.dma_semaphore, #tpu.memory_space<semaphore_mem>>
        %dma_start3A_145 = arith.constant 0 : i32
        %dma_start3A_146 = tpu.memref_slice %arg8[%dma_start3A_136, %dma_start3A_145] : memref<2x3072xf32, #tpu.memory_space<vmem>> -> memref<1x3072xf32, #tpu.memory_space<vmem>>
        %dma_start3A_147 = tpu.memref_squeeze %dma_start3A_146 : memref<1x3072xf32, #tpu.memory_space<vmem>> -> memref<3072xf32, #tpu.memory_space<vmem>>
        %dma_start3A_148 = tpu.memref_slice %arg3[%add3A, %mul3A_131] : memref<32x1920000xf32, #tpu.memory_space<hbm>> -> memref<1x3072xf32, #tpu.memory_space<hbm>>
        %dma_start3A_149 = tpu.memref_squeeze %dma_start3A_148 : memref<1x3072xf32, #tpu.memory_space<hbm>> -> memref<3072xf32, #tpu.memory_space<hbm>>
        tpu.enqueue_dma source(%dma_start3A_149 : memref<3072xf32, #tpu.memory_space<hbm>>) target(%dma_start3A_147 : memref<3072xf32, #tpu.memory_space<vmem>>) target_semaphore(%dma_start3A_144 : memref<!tpu.dma_semaphore, #tpu.memory_space<semaphore_mem>>)
        %dma_start3A_150 = arith.constant 1 : i32
        %dma_start3A_151 = arith.constant 1 : i32
        %dma_start3A_152 = arith.constant 0 : i32
        %dma_start3A_153 = tpu.memref_slice %arg9[%dma_start3A_150, %dma_start3A_152] : memref<2x256xi32, #tpu.memory_space<vmem>> -> memref<1x256xi32, #tpu.memory_space<vmem>>
        %dma_start3A_154 = tpu.memref_squeeze %dma_start3A_153 : memref<1x256xi32, #tpu.memory_space<vmem>> -> memref<256xi32, #tpu.memory_space<vmem>>
        %dma_start3A_155 = tpu.memref_slice %arg4[%mul3A_133] : memref<160000xi32, #tpu.memory_space<hbm>> -> memref<256xi32, #tpu.memory_space<hbm>>
        %dma_start3A_156 = tpu.memref_slice %arg11[%dma_start3A_151] : memref<2x!tpu.dma_semaphore, #tpu.memory_space<semaphore_mem>> -> memref<1x!tpu.dma_semaphore, #tpu.memory_space<semaphore_mem>>
        %dma_start3A_157 = tpu.memref_squeeze %dma_start3A_156 : memref<1x!tpu.dma_semaphore, #tpu.memory_space<semaphore_mem>> -> memref<!tpu.dma_semaphore, #tpu.memory_space<semaphore_mem>>
        %dma_start3A_158 = arith.constant 0 : i32
        %dma_start3A_159 = tpu.memref_slice %arg9[%dma_start3A_150, %dma_start3A_158] : memref<2x256xi32, #tpu.memory_space<vmem>> -> memref<1x256xi32, #tpu.memory_space<vmem>>
        %dma_start3A_160 = tpu.memref_squeeze %dma_start3A_159 : memref<1x256xi32, #tpu.memory_space<vmem>> -> memref<256xi32, #tpu.memory_space<vmem>>
        %dma_start3A_161 = tpu.memref_slice %arg4[%mul3A_133] : memref<160000xi32, #tpu.memory_space<hbm>> -> memref<256xi32, #tpu.memory_space<hbm>>
        tpu.enqueue_dma source(%dma_start3A_161 : memref<256xi32, #tpu.memory_space<hbm>>) target(%dma_start3A_160 : memref<256xi32, #tpu.memory_space<vmem>>) target_semaphore(%dma_start3A_157 : memref<!tpu.dma_semaphore, #tpu.memory_space<semaphore_mem>>)
        %dma_start3A_162 = arith.constant 1 : i32
        %dma_start3A_163 = arith.constant 1 : i32
        %dma_start3A_164 = arith.constant 0 : i32
        %dma_start3A_165 = tpu.memref_slice %arg10[%dma_start3A_162, %dma_start3A_164] : memref<2x256xi32, #tpu.memory_space<vmem>> -> memref<1x256xi32, #tpu.memory_space<vmem>>
        %dma_start3A_166 = tpu.memref_squeeze %dma_start3A_165 : memref<1x256xi32, #tpu.memory_space<vmem>> -> memref<256xi32, #tpu.memory_space<vmem>>
        %dma_start3A_167 = tpu.memref_slice %arg5[%mul3A_135] : memref<160000xi32, #tpu.memory_space<hbm>> -> memref<256xi32, #tpu.memory_space<hbm>>
        %dma_start3A_168 = tpu.memref_slice %arg11[%dma_start3A_163] : memref<2x!tpu.dma_semaphore, #tpu.memory_space<semaphore_mem>> -> memref<1x!tpu.dma_semaphore, #tpu.memory_space<semaphore_mem>>
        %dma_start3A_169 = tpu.memref_squeeze %dma_start3A_168 : memref<1x!tpu.dma_semaphore, #tpu.memory_space<semaphore_mem>> -> memref<!tpu.dma_semaphore, #tpu.memory_space<semaphore_mem>>
        %dma_start3A_170 = arith.constant 0 : i32
        %dma_start3A_171 = tpu.memref_slice %arg10[%dma_start3A_162, %dma_start3A_170] : memref<2x256xi32, #tpu.memory_space<vmem>> -> memref<1x256xi32, #tpu.memory_space<vmem>>
        %dma_start3A_172 = tpu.memref_squeeze %dma_start3A_171 : memref<1x256xi32, #tpu.memory_space<vmem>> -> memref<256xi32, #tpu.memory_space<vmem>>
        %dma_start3A_173 = tpu.memref_slice %arg5[%mul3A_135] : memref<160000xi32, #tpu.memory_space<hbm>> -> memref<256xi32, #tpu.memory_space<hbm>>
        tpu.enqueue_dma source(%dma_start3A_173 : memref<256xi32, #tpu.memory_space<hbm>>) target(%dma_start3A_172 : memref<256xi32, #tpu.memory_space<vmem>>) target_semaphore(%dma_start3A_169 : memref<!tpu.dma_semaphore, #tpu.memory_space<semaphore_mem>>)
      } else {
      }
      %mul3A_59 = arith.constant 256 : i32
      %mul3A_60 = arith.muli %mul3A_53, %mul3A_59 : i32
      %mul3A_61 = arith.constant 12 : i32
      %mul3A_62 = arith.muli %mul3A_60, %mul3A_61 : i32
      %mul3A_63 = arith.constant 256 : i32
      %mul3A_64 = arith.muli %mul3A_53, %mul3A_63 : i32
      %mul3A_65 = arith.constant 256 : i32
      %mul3A_66 = arith.muli %mul3A_53, %mul3A_65 : i32
      %dma_wait3A = arith.constant 0 : i32
      %dma_wait3A_67 = arith.constant 0 : i32
      %dma_wait3A_68 = arith.constant 0 : i32
      %dma_wait3A_69 = tpu.memref_slice %arg8[%dma_wait3A, %dma_wait3A_68] : memref<2x3072xf32, #tpu.memory_space<vmem>> -> memref<1x3072xf32, #tpu.memory_space<vmem>>
      %dma_wait3A_70 = tpu.memref_squeeze %dma_wait3A_69 : memref<1x3072xf32, #tpu.memory_space<vmem>> -> memref<3072xf32, #tpu.memory_space<vmem>>
      %dma_wait3A_71 = tpu.memref_slice %arg3[%add3A, %mul3A_62] : memref<32x1920000xf32, #tpu.memory_space<hbm>> -> memref<1x3072xf32, #tpu.memory_space<hbm>>
      %dma_wait3A_72 = tpu.memref_squeeze %dma_wait3A_71 : memref<1x3072xf32, #tpu.memory_space<hbm>> -> memref<3072xf32, #tpu.memory_space<hbm>>
      %dma_wait3A_73 = tpu.memref_slice %arg11[%dma_wait3A_67] : memref<2x!tpu.dma_semaphore, #tpu.memory_space<semaphore_mem>> -> memref<1x!tpu.dma_semaphore, #tpu.memory_space<semaphore_mem>>
      %dma_wait3A_74 = tpu.memref_squeeze %dma_wait3A_73 : memref<1x!tpu.dma_semaphore, #tpu.memory_space<semaphore_mem>> -> memref<!tpu.dma_semaphore, #tpu.memory_space<semaphore_mem>>
      %dma_wait3A_75 = arith.constant 0 : i32
      %dma_wait3A_76 = tpu.memref_slice %arg8[%dma_wait3A, %dma_wait3A_75] : memref<2x3072xf32, #tpu.memory_space<vmem>> -> memref<1x3072xf32, #tpu.memory_space<vmem>>
      %dma_wait3A_77 = tpu.memref_squeeze %dma_wait3A_76 : memref<1x3072xf32, #tpu.memory_space<vmem>> -> memref<3072xf32, #tpu.memory_space<vmem>>
      %dma_wait3A_78 = tpu.memref_slice %arg3[%add3A, %mul3A_62] : memref<32x1920000xf32, #tpu.memory_space<hbm>> -> memref<1x3072xf32, #tpu.memory_space<hbm>>
      %dma_wait3A_79 = tpu.memref_squeeze %dma_wait3A_78 : memref<1x3072xf32, #tpu.memory_space<hbm>> -> memref<3072xf32, #tpu.memory_space<hbm>>
      tpu.wait_dma2 semaphore(%dma_wait3A_74 : memref<!tpu.dma_semaphore, #tpu.memory_space<semaphore_mem>>) src(%dma_wait3A_79 : memref<3072xf32, #tpu.memory_space<hbm>>) dst(%dma_wait3A_77 : memref<3072xf32, #tpu.memory_space<vmem>>)
      %dma_wait3A_80 = arith.constant 0 : i32
      %dma_wait3A_81 = arith.constant 0 : i32
      %dma_wait3A_82 = arith.constant 0 : i32
      %dma_wait3A_83 = tpu.memref_slice %arg9[%dma_wait3A_80, %dma_wait3A_82] : memref<2x256xi32, #tpu.memory_space<vmem>> -> memref<1x256xi32, #tpu.memory_space<vmem>>
      %dma_wait3A_84 = tpu.memref_squeeze %dma_wait3A_83 : memref<1x256xi32, #tpu.memory_space<vmem>> -> memref<256xi32, #tpu.memory_space<vmem>>
      %dma_wait3A_85 = tpu.memref_slice %arg4[%mul3A_64] : memref<160000xi32, #tpu.memory_space<hbm>> -> memref<256xi32, #tpu.memory_space<hbm>>
      %dma_wait3A_86 = tpu.memref_slice %arg11[%dma_wait3A_81] : memref<2x!tpu.dma_semaphore, #tpu.memory_space<semaphore_mem>> -> memref<1x!tpu.dma_semaphore, #tpu.memory_space<semaphore_mem>>
      %dma_wait3A_87 = tpu.memref_squeeze %dma_wait3A_86 : memref<1x!tpu.dma_semaphore, #tpu.memory_space<semaphore_mem>> -> memref<!tpu.dma_semaphore, #tpu.memory_space<semaphore_mem>>
      %dma_wait3A_88 = arith.constant 0 : i32
      %dma_wait3A_89 = tpu.memref_slice %arg9[%dma_wait3A_80, %dma_wait3A_88] : memref<2x256xi32, #tpu.memory_space<vmem>> -> memref<1x256xi32, #tpu.memory_space<vmem>>
      %dma_wait3A_90 = tpu.memref_squeeze %dma_wait3A_89 : memref<1x256xi32, #tpu.memory_space<vmem>> -> memref<256xi32, #tpu.memory_space<vmem>>
      %dma_wait3A_91 = tpu.memref_slice %arg4[%mul3A_64] : memref<160000xi32, #tpu.memory_space<hbm>> -> memref<256xi32, #tpu.memory_space<hbm>>
      tpu.wait_dma2 semaphore(%dma_wait3A_87 : memref<!tpu.dma_semaphore, #tpu.memory_space<semaphore_mem>>) src(%dma_wait3A_91 : memref<256xi32, #tpu.memory_space<hbm>>) dst(%dma_wait3A_90 : memref<256xi32, #tpu.memory_space<vmem>>)
      %dma_wait3A_92 = arith.constant 0 : i32
      %dma_wait3A_93 = arith.constant 0 : i32
      %dma_wait3A_94 = arith.constant 0 : i32
      %dma_wait3A_95 = tpu.memref_slice %arg10[%dma_wait3A_92, %dma_wait3A_94] : memref<2x256xi32, #tpu.memory_space<vmem>> -> memref<1x256xi32, #tpu.memory_space<vmem>>
      %dma_wait3A_96 = tpu.memref_squeeze %dma_wait3A_95 : memref<1x256xi32, #tpu.memory_space<vmem>> -> memref<256xi32, #tpu.memory_space<vmem>>
      %dma_wait3A_97 = tpu.memref_slice %arg5[%mul3A_66] : memref<160000xi32, #tpu.memory_space<hbm>> -> memref<256xi32, #tpu.memory_space<hbm>>
      %dma_wait3A_98 = tpu.memref_slice %arg11[%dma_wait3A_93] : memref<2x!tpu.dma_semaphore, #tpu.memory_space<semaphore_mem>> -> memref<1x!tpu.dma_semaphore, #tpu.memory_space<semaphore_mem>>
      %dma_wait3A_99 = tpu.memref_squeeze %dma_wait3A_98 : memref<1x!tpu.dma_semaphore, #tpu.memory_space<semaphore_mem>> -> memref<!tpu.dma_semaphore, #tpu.memory_space<semaphore_mem>>
      %dma_wait3A_100 = arith.constant 0 : i32
      %dma_wait3A_101 = tpu.memref_slice %arg10[%dma_wait3A_92, %dma_wait3A_100] : memref<2x256xi32, #tpu.memory_space<vmem>> -> memref<1x256xi32, #tpu.memory_space<vmem>>
      %dma_wait3A_102 = tpu.memref_squeeze %dma_wait3A_101 : memref<1x256xi32, #tpu.memory_space<vmem>> -> memref<256xi32, #tpu.memory_space<vmem>>
      %dma_wait3A_103 = tpu.memref_slice %arg5[%mul3A_66] : memref<160000xi32, #tpu.memory_space<hbm>> -> memref<256xi32, #tpu.memory_space<hbm>>
      tpu.wait_dma2 semaphore(%dma_wait3A_99 : memref<!tpu.dma_semaphore, #tpu.memory_space<semaphore_mem>>) src(%dma_wait3A_103 : memref<256xi32, #tpu.memory_space<hbm>>) dst(%dma_wait3A_102 : memref<256xi32, #tpu.memory_space<vmem>>)
      %broadcast_in_dim3A_104 = arith.constant 0 : i32
      %broadcast_in_dim3A_105 = vector.broadcast %broadcast_in_dim3A_104 : i32 to vector<16xi32>
      %scan3A_106 = arith.constant 0 : i32
      %scan3A_107 = arith.constant 256 : i32
      %scan3A_108 = arith.addi %scan3A_106, %scan3A_107 : i32
      %scan3A_109 = arith.constant 1 : i32
      %scan3A_110 = scf.for %scan3A_126 = %scan3A_106 to %scan3A_108 step %scan3A_109 iter_args(%scan3A_127 = %broadcast_in_dim3A_105) -> (vector<16xi32>)  : i32 {
        %broadcast_in_dim3A_128 = vector.broadcast %scan3A_126 : i32 to vector<16xi32>
        %gather3A = arith.constant 0 : i32
        %gather3A_129 = arith.constant 0 : i32
        %gather3A_130 = tpu.memref_slice %arg9[%gather3A, %gather3A_129] : memref<2x256xi32, #tpu.memory_space<vmem>> -> memref<1x256xi32, #tpu.memory_space<vmem>>
        %gather3A_131 = tpu.memref_squeeze %gather3A_130 : memref<1x256xi32, #tpu.memory_space<vmem>> -> memref<256xi32, #tpu.memory_space<vmem>>
        %gather3A_132 = tpu.vector_load_idx %gather3A_131[%broadcast_in_dim3A_128] : memref<256xi32, #tpu.memory_space<vmem>>[vector<16xi32>], vector<16xi32>,
        %gather3A_133 = arith.constant 0 : i32
        %gather3A_134 = arith.constant 0 : i32
        %gather3A_135 = tpu.memref_slice %arg10[%gather3A_133, %gather3A_134] : memref<2x256xi32, #tpu.memory_space<vmem>> -> memref<1x256xi32, #tpu.memory_space<vmem>>
        %gather3A_136 = tpu.memref_squeeze %gather3A_135 : memref<1x256xi32, #tpu.memory_space<vmem>> -> memref<256xi32, #tpu.memory_space<vmem>>
        %gather3A_137 = tpu.vector_load_idx %gather3A_136[%broadcast_in_dim3A_128] : memref<256xi32, #tpu.memory_space<vmem>>[vector<16xi32>], vector<16xi32>,
        %add3A_138 = arith.addi %gather3A_132, %select_n3A : vector<16xi32>
        %gather3A_139 = tpu.vector_load_idx %arg7[%add3A_138] masked %lt3A_2 : memref<120000xf32, #tpu.memory_space<vmem>>[vector<16xi32>], vector<16xf32>, vector<16xi1>
        %add3A_140 = arith.addi %scan3A_127, %select_n3A : vector<16xi32>
        %gather3A_141 = arith.constant 0 : i32
        %gather3A_142 = arith.constant 0 : i32
        %gather3A_143 = tpu.memref_slice %arg8[%gather3A_141, %gather3A_142] : memref<2x3072xf32, #tpu.memory_space<vmem>> -> memref<1x3072xf32, #tpu.memory_space<vmem>>
        %gather3A_144 = tpu.memref_squeeze %gather3A_143 : memref<1x3072xf32, #tpu.memory_space<vmem>> -> memref<3072xf32, #tpu.memory_space<vmem>>
        %gather3A_145 = tpu.vector_load_idx %gather3A_144[%add3A_140] masked %lt3A_2 : memref<3072xf32, #tpu.memory_space<vmem>>[vector<16xi32>], vector<16xf32>, vector<16xi1>
        %add3A_146 = arith.addi %gather3A_137, %select_n3A : vector<16xi32>
        %sub3A = arith.subf %gather3A_139, %gather3A_145 : vector<16xf32>
        tpu.vector_store_idx %arg7[%add3A_146], %sub3A masked %lt3A_2 : memref<120000xf32, #tpu.memory_space<vmem>>[vector<16xi32>], vector<16xf32>, vector<16xi1>
        %add3A_147 = arith.constant 12 : i32
        %add3A_148 = vector.broadcast %add3A_147 : i32 to vector<16xi32>
        %add3A_149 = arith.addi %scan3A_127, %add3A_148 : vector<16xi32>
        scf.yield %add3A_149 : vector<16xi32>
      }
      %scan3A_111 = arith.constant 256 : i32
      %add3A_112 = arith.constant 2 : i32
      %add3A_113 = arith.addi %mul3A_53, %add3A_112 : i32
      %lt3A_114 = arith.constant 625 : i32
      %lt3A_115 = arith.cmpi slt, %add3A_113, %lt3A_114 : i32
      %convert_element_type3A_116 = arith.extui %lt3A_115 : i1 to i32
      %cond3A_117 = arith.constant 0 : i32
      %cond3A_118 = arith.cmpi ne, %convert_element_type3A_116, %cond3A_117 : i32
      scf.if %cond3A_118 {
        %add3A_126 = arith.constant 2 : i32
        %add3A_127 = arith.addi %mul3A_53, %add3A_126 : i32
        %mul3A_128 = arith.constant 256 : i32
        %mul3A_129 = arith.muli %add3A_127, %mul3A_128 : i32
        %mul3A_130 = arith.constant 12 : i32
        %mul3A_131 = arith.muli %mul3A_129, %mul3A_130 : i32
        %mul3A_132 = arith.constant 256 : i32
        %mul3A_133 = arith.muli %add3A_127, %mul3A_132 : i32
        %mul3A_134 = arith.constant 256 : i32
        %mul3A_135 = arith.muli %add3A_127, %mul3A_134 : i32
        %dma_start3A_136 = arith.constant 0 : i32
        %dma_start3A_137 = arith.constant 0 : i32
        %dma_start3A_138 = arith.constant 0 : i32
        %dma_start3A_139 = tpu.memref_slice %arg8[%dma_start3A_136, %dma_start3A_138] : memref<2x3072xf32, #tpu.memory_space<vmem>> -> memref<1x3072xf32, #tpu.memory_space<vmem>>
        %dma_start3A_140 = tpu.memref_squeeze %dma_start3A_139 : memref<1x3072xf32, #tpu.memory_space<vmem>> -> memref<3072xf32, #tpu.memory_space<vmem>>
        %dma_start3A_141 = tpu.memref_slice %arg3[%add3A, %mul3A_131] : memref<32x1920000xf32, #tpu.memory_space<hbm>> -> memref<1x3072xf32, #tpu.memory_space<hbm>>
        %dma_start3A_142 = tpu.memref_squeeze %dma_start3A_141 : memref<1x3072xf32, #tpu.memory_space<hbm>> -> memref<3072xf32, #tpu.memory_space<hbm>>
        %dma_start3A_143 = tpu.memref_slice %arg11[%dma_start3A_137] : memref<2x!tpu.dma_semaphore, #tpu.memory_space<semaphore_mem>> -> memref<1x!tpu.dma_semaphore, #tpu.memory_space<semaphore_mem>>
        %dma_start3A_144 = tpu.memref_squeeze %dma_start3A_143 : memref<1x!tpu.dma_semaphore, #tpu.memory_space<semaphore_mem>> -> memref<!tpu.dma_semaphore, #tpu.memory_space<semaphore_mem>>
        %dma_start3A_145 = arith.constant 0 : i32
        %dma_start3A_146 = tpu.memref_slice %arg8[%dma_start3A_136, %dma_start3A_145] : memref<2x3072xf32, #tpu.memory_space<vmem>> -> memref<1x3072xf32, #tpu.memory_space<vmem>>
        %dma_start3A_147 = tpu.memref_squeeze %dma_start3A_146 : memref<1x3072xf32, #tpu.memory_space<vmem>> -> memref<3072xf32, #tpu.memory_space<vmem>>
        %dma_start3A_148 = tpu.memref_slice %arg3[%add3A, %mul3A_131] : memref<32x1920000xf32, #tpu.memory_space<hbm>> -> memref<1x3072xf32, #tpu.memory_space<hbm>>
        %dma_start3A_149 = tpu.memref_squeeze %dma_start3A_148 : memref<1x3072xf32, #tpu.memory_space<hbm>> -> memref<3072xf32, #tpu.memory_space<hbm>>
        tpu.enqueue_dma source(%dma_start3A_149 : memref<3072xf32, #tpu.memory_space<hbm>>) target(%dma_start3A_147 : memref<3072xf32, #tpu.memory_space<vmem>>) target_semaphore(%dma_start3A_144 : memref<!tpu.dma_semaphore, #tpu.memory_space<semaphore_mem>>)
        %dma_start3A_150 = arith.constant 0 : i32
        %dma_start3A_151 = arith.constant 0 : i32
        %dma_start3A_152 = arith.constant 0 : i32
        %dma_start3A_153 = tpu.memref_slice %arg9[%dma_start3A_150, %dma_start3A_152] : memref<2x256xi32, #tpu.memory_space<vmem>> -> memref<1x256xi32, #tpu.memory_space<vmem>>
        %dma_start3A_154 = tpu.memref_squeeze %dma_start3A_153 : memref<1x256xi32, #tpu.memory_space<vmem>> -> memref<256xi32, #tpu.memory_space<vmem>>
        %dma_start3A_155 = tpu.memref_slice %arg4[%mul3A_133] : memref<160000xi32, #tpu.memory_space<hbm>> -> memref<256xi32, #tpu.memory_space<hbm>>
        %dma_start3A_156 = tpu.memref_slice %arg11[%dma_start3A_151] : memref<2x!tpu.dma_semaphore, #tpu.memory_space<semaphore_mem>> -> memref<1x!tpu.dma_semaphore, #tpu.memory_space<semaphore_mem>>
        %dma_start3A_157 = tpu.memref_squeeze %dma_start3A_156 : memref<1x!tpu.dma_semaphore, #tpu.memory_space<semaphore_mem>> -> memref<!tpu.dma_semaphore, #tpu.memory_space<semaphore_mem>>
        %dma_start3A_158 = arith.constant 0 : i32
        %dma_start3A_159 = tpu.memref_slice %arg9[%dma_start3A_150, %dma_start3A_158] : memref<2x256xi32, #tpu.memory_space<vmem>> -> memref<1x256xi32, #tpu.memory_space<vmem>>
        %dma_start3A_160 = tpu.memref_squeeze %dma_start3A_159 : memref<1x256xi32, #tpu.memory_space<vmem>> -> memref<256xi32, #tpu.memory_space<vmem>>
        %dma_start3A_161 = tpu.memref_slice %arg4[%mul3A_133] : memref<160000xi32, #tpu.memory_space<hbm>> -> memref<256xi32, #tpu.memory_space<hbm>>
        tpu.enqueue_dma source(%dma_start3A_161 : memref<256xi32, #tpu.memory_space<hbm>>) target(%dma_start3A_160 : memref<256xi32, #tpu.memory_space<vmem>>) target_semaphore(%dma_start3A_157 : memref<!tpu.dma_semaphore, #tpu.memory_space<semaphore_mem>>)
        %dma_start3A_162 = arith.constant 0 : i32
        %dma_start3A_163 = arith.constant 0 : i32
        %dma_start3A_164 = arith.constant 0 : i32
        %dma_start3A_165 = tpu.memref_slice %arg10[%dma_start3A_162, %dma_start3A_164] : memref<2x256xi32, #tpu.memory_space<vmem>> -> memref<1x256xi32, #tpu.memory_space<vmem>>
        %dma_start3A_166 = tpu.memref_squeeze %dma_start3A_165 : memref<1x256xi32, #tpu.memory_space<vmem>> -> memref<256xi32, #tpu.memory_space<vmem>>
        %dma_start3A_167 = tpu.memref_slice %arg5[%mul3A_135] : memref<160000xi32, #tpu.memory_space<hbm>> -> memref<256xi32, #tpu.memory_space<hbm>>
        %dma_start3A_168 = tpu.memref_slice %arg11[%dma_start3A_163] : memref<2x!tpu.dma_semaphore, #tpu.memory_space<semaphore_mem>> -> memref<1x!tpu.dma_semaphore, #tpu.memory_space<semaphore_mem>>
        %dma_start3A_169 = tpu.memref_squeeze %dma_start3A_168 : memref<1x!tpu.dma_semaphore, #tpu.memory_space<semaphore_mem>> -> memref<!tpu.dma_semaphore, #tpu.memory_space<semaphore_mem>>
        %dma_start3A_170 = arith.constant 0 : i32
        %dma_start3A_171 = tpu.memref_slice %arg10[%dma_start3A_162, %dma_start3A_170] : memref<2x256xi32, #tpu.memory_space<vmem>> -> memref<1x256xi32, #tpu.memory_space<vmem>>
        %dma_start3A_172 = tpu.memref_squeeze %dma_start3A_171 : memref<1x256xi32, #tpu.memory_space<vmem>> -> memref<256xi32, #tpu.memory_space<vmem>>
        %dma_start3A_173 = tpu.memref_slice %arg5[%mul3A_135] : memref<160000xi32, #tpu.memory_space<hbm>> -> memref<256xi32, #tpu.memory_space<hbm>>
        tpu.enqueue_dma source(%dma_start3A_173 : memref<256xi32, #tpu.memory_space<hbm>>) target(%dma_start3A_172 : memref<256xi32, #tpu.memory_space<vmem>>) target_semaphore(%dma_start3A_169 : memref<!tpu.dma_semaphore, #tpu.memory_space<semaphore_mem>>)
      } else {
      }
      %add3A_119 = arith.constant 1 : i32
      %add3A_120 = arith.addi %mul3A_53, %add3A_119 : i32
      %lt3A_121 = arith.constant 625 : i32
      %lt3A_122 = arith.cmpi slt, %add3A_120, %lt3A_121 : i32
      %convert_element_type3A_123 = arith.extui %lt3A_122 : i1 to i32
      %cond3A_124 = arith.constant 0 : i32
      %cond3A_125 = arith.cmpi ne, %convert_element_type3A_123, %cond3A_124 : i32
      scf.if %cond3A_125 {
        %add3A_126 = arith.constant 1 : i32
        %add3A_127 = arith.addi %mul3A_53, %add3A_126 : i32
        %mul3A_128 = arith.constant 256 : i32
        %mul3A_129 = arith.muli %add3A_127, %mul3A_128 : i32
        %mul3A_130 = arith.constant 12 : i32
        %mul3A_131 = arith.muli %mul3A_129, %mul3A_130 : i32
        %mul3A_132 = arith.constant 256 : i32
        %mul3A_133 = arith.muli %add3A_127, %mul3A_132 : i32
        %mul3A_134 = arith.constant 256 : i32
        %mul3A_135 = arith.muli %add3A_127, %mul3A_134 : i32
        %dma_wait3A_136 = arith.constant 1 : i32
        %dma_wait3A_137 = arith.constant 1 : i32
        %dma_wait3A_138 = arith.constant 0 : i32
        %dma_wait3A_139 = tpu.memref_slice %arg8[%dma_wait3A_136, %dma_wait3A_138] : memref<2x3072xf32, #tpu.memory_space<vmem>> -> memref<1x3072xf32, #tpu.memory_space<vmem>>
        %dma_wait3A_140 = tpu.memref_squeeze %dma_wait3A_139 : memref<1x3072xf32, #tpu.memory_space<vmem>> -> memref<3072xf32, #tpu.memory_space<vmem>>
        %dma_wait3A_141 = tpu.memref_slice %arg3[%add3A, %mul3A_131] : memref<32x1920000xf32, #tpu.memory_space<hbm>> -> memref<1x3072xf32, #tpu.memory_space<hbm>>
        %dma_wait3A_142 = tpu.memref_squeeze %dma_wait3A_141 : memref<1x3072xf32, #tpu.memory_space<hbm>> -> memref<3072xf32, #tpu.memory_space<hbm>>
        %dma_wait3A_143 = tpu.memref_slice %arg11[%dma_wait3A_137] : memref<2x!tpu.dma_semaphore, #tpu.memory_space<semaphore_mem>> -> memref<1x!tpu.dma_semaphore, #tpu.memory_space<semaphore_mem>>
        %dma_wait3A_144 = tpu.memref_squeeze %dma_wait3A_143 : memref<1x!tpu.dma_semaphore, #tpu.memory_space<semaphore_mem>> -> memref<!tpu.dma_semaphore, #tpu.memory_space<semaphore_mem>>
        %dma_wait3A_145 = arith.constant 0 : i32
        %dma_wait3A_146 = tpu.memref_slice %arg8[%dma_wait3A_136, %dma_wait3A_145] : memref<2x3072xf32, #tpu.memory_space<vmem>> -> memref<1x3072xf32, #tpu.memory_space<vmem>>
        %dma_wait3A_147 = tpu.memref_squeeze %dma_wait3A_146 : memref<1x3072xf32, #tpu.memory_space<vmem>> -> memref<3072xf32, #tpu.memory_space<vmem>>
        %dma_wait3A_148 = tpu.memref_slice %arg3[%add3A, %mul3A_131] : memref<32x1920000xf32, #tpu.memory_space<hbm>> -> memref<1x3072xf32, #tpu.memory_space<hbm>>
        %dma_wait3A_149 = tpu.memref_squeeze %dma_wait3A_148 : memref<1x3072xf32, #tpu.memory_space<hbm>> -> memref<3072xf32, #tpu.memory_space<hbm>>
        tpu.wait_dma2 semaphore(%dma_wait3A_144 : memref<!tpu.dma_semaphore, #tpu.memory_space<semaphore_mem>>) src(%dma_wait3A_149 : memref<3072xf32, #tpu.memory_space<hbm>>) dst(%dma_wait3A_147 : memref<3072xf32, #tpu.memory_space<vmem>>)
        %dma_wait3A_150 = arith.constant 1 : i32
        %dma_wait3A_151 = arith.constant 1 : i32
        %dma_wait3A_152 = arith.constant 0 : i32
        %dma_wait3A_153 = tpu.memref_slice %arg9[%dma_wait3A_150, %dma_wait3A_152] : memref<2x256xi32, #tpu.memory_space<vmem>> -> memref<1x256xi32, #tpu.memory_space<vmem>>
        %dma_wait3A_154 = tpu.memref_squeeze %dma_wait3A_153 : memref<1x256xi32, #tpu.memory_space<vmem>> -> memref<256xi32, #tpu.memory_space<vmem>>
        %dma_wait3A_155 = tpu.memref_slice %arg4[%mul3A_133] : memref<160000xi32, #tpu.memory_space<hbm>> -> memref<256xi32, #tpu.memory_space<hbm>>
        %dma_wait3A_156 = tpu.memref_slice %arg11[%dma_wait3A_151] : memref<2x!tpu.dma_semaphore, #tpu.memory_space<semaphore_mem>> -> memref<1x!tpu.dma_semaphore, #tpu.memory_space<semaphore_mem>>
        %dma_wait3A_157 = tpu.memref_squeeze %dma_wait3A_156 : memref<1x!tpu.dma_semaphore, #tpu.memory_space<semaphore_mem>> -> memref<!tpu.dma_semaphore, #tpu.memory_space<semaphore_mem>>
        %dma_wait3A_158 = arith.constant 0 : i32
        %dma_wait3A_159 = tpu.memref_slice %arg9[%dma_wait3A_150, %dma_wait3A_158] : memref<2x256xi32, #tpu.memory_space<vmem>> -> memref<1x256xi32, #tpu.memory_space<vmem>>
        %dma_wait3A_160 = tpu.memref_squeeze %dma_wait3A_159 : memref<1x256xi32, #tpu.memory_space<vmem>> -> memref<256xi32, #tpu.memory_space<vmem>>
        %dma_wait3A_161 = tpu.memref_slice %arg4[%mul3A_133] : memref<160000xi32, #tpu.memory_space<hbm>> -> memref<256xi32, #tpu.memory_space<hbm>>
        tpu.wait_dma2 semaphore(%dma_wait3A_157 : memref<!tpu.dma_semaphore, #tpu.memory_space<semaphore_mem>>) src(%dma_wait3A_161 : memref<256xi32, #tpu.memory_space<hbm>>) dst(%dma_wait3A_160 : memref<256xi32, #tpu.memory_space<vmem>>)
        %dma_wait3A_162 = arith.constant 1 : i32
        %dma_wait3A_163 = arith.constant 1 : i32
        %dma_wait3A_164 = arith.constant 0 : i32
        %dma_wait3A_165 = tpu.memref_slice %arg10[%dma_wait3A_162, %dma_wait3A_164] : memref<2x256xi32, #tpu.memory_space<vmem>> -> memref<1x256xi32, #tpu.memory_space<vmem>>
        %dma_wait3A_166 = tpu.memref_squeeze %dma_wait3A_165 : memref<1x256xi32, #tpu.memory_space<vmem>> -> memref<256xi32, #tpu.memory_space<vmem>>
        %dma_wait3A_167 = tpu.memref_slice %arg5[%mul3A_135] : memref<160000xi32, #tpu.memory_space<hbm>> -> memref<256xi32, #tpu.memory_space<hbm>>
        %dma_wait3A_168 = tpu.memref_slice %arg11[%dma_wait3A_163] : memref<2x!tpu.dma_semaphore, #tpu.memory_space<semaphore_mem>> -> memref<1x!tpu.dma_semaphore, #tpu.memory_space<semaphore_mem>>
        %dma_wait3A_169 = tpu.memref_squeeze %dma_wait3A_168 : memref<1x!tpu.dma_semaphore, #tpu.memory_space<semaphore_mem>> -> memref<!tpu.dma_semaphore, #tpu.memory_space<semaphore_mem>>
        %dma_wait3A_170 = arith.constant 0 : i32
        %dma_wait3A_171 = tpu.memref_slice %arg10[%dma_wait3A_162, %dma_wait3A_170] : memref<2x256xi32, #tpu.memory_space<vmem>> -> memref<1x256xi32, #tpu.memory_space<vmem>>
        %dma_wait3A_172 = tpu.memref_squeeze %dma_wait3A_171 : memref<1x256xi32, #tpu.memory_space<vmem>> -> memref<256xi32, #tpu.memory_space<vmem>>
        %dma_wait3A_173 = tpu.memref_slice %arg5[%mul3A_135] : memref<160000xi32, #tpu.memory_space<hbm>> -> memref<256xi32, #tpu.memory_space<hbm>>
        tpu.wait_dma2 semaphore(%dma_wait3A_169 : memref<!tpu.dma_semaphore, #tpu.memory_space<semaphore_mem>>) src(%dma_wait3A_173 : memref<256xi32, #tpu.memory_space<hbm>>) dst(%dma_wait3A_172 : memref<256xi32, #tpu.memory_space<vmem>>)
        %broadcast_in_dim3A_174 = arith.constant 0 : i32
        %broadcast_in_dim3A_175 = vector.broadcast %broadcast_in_dim3A_174 : i32 to vector<16xi32>
        %scan3A_176 = arith.constant 0 : i32
        %scan3A_177 = arith.constant 256 : i32
        %scan3A_178 = arith.addi %scan3A_176, %scan3A_177 : i32
        %scan3A_179 = arith.constant 1 : i32
        %scan3A_180 = scf.for %scan3A_182 = %scan3A_176 to %scan3A_178 step %scan3A_179 iter_args(%scan3A_183 = %broadcast_in_dim3A_175) -> (vector<16xi32>)  : i32 {
          %broadcast_in_dim3A_184 = vector.broadcast %scan3A_182 : i32 to vector<16xi32>
          %gather3A = arith.constant 1 : i32
          %gather3A_185 = arith.constant 0 : i32
          %gather3A_186 = tpu.memref_slice %arg9[%gather3A, %gather3A_185] : memref<2x256xi32, #tpu.memory_space<vmem>> -> memref<1x256xi32, #tpu.memory_space<vmem>>
          %gather3A_187 = tpu.memref_squeeze %gather3A_186 : memref<1x256xi32, #tpu.memory_space<vmem>> -> memref<256xi32, #tpu.memory_space<vmem>>
          %gather3A_188 = tpu.vector_load_idx %gather3A_187[%broadcast_in_dim3A_184] : memref<256xi32, #tpu.memory_space<vmem>>[vector<16xi32>], vector<16xi32>,
          %gather3A_189 = arith.constant 1 : i32
          %gather3A_190 = arith.constant 0 : i32
          %gather3A_191 = tpu.memref_slice %arg10[%gather3A_189, %gather3A_190] : memref<2x256xi32, #tpu.memory_space<vmem>> -> memref<1x256xi32, #tpu.memory_space<vmem>>
          %gather3A_192 = tpu.memref_squeeze %gather3A_191 : memref<1x256xi32, #tpu.memory_space<vmem>> -> memref<256xi32, #tpu.memory_space<vmem>>
          %gather3A_193 = tpu.vector_load_idx %gather3A_192[%broadcast_in_dim3A_184] : memref<256xi32, #tpu.memory_space<vmem>>[vector<16xi32>], vector<16xi32>,
          %add3A_194 = arith.addi %gather3A_188, %select_n3A : vector<16xi32>
          %gather3A_195 = tpu.vector_load_idx %arg7[%add3A_194] masked %lt3A_2 : memref<120000xf32, #tpu.memory_space<vmem>>[vector<16xi32>], vector<16xf32>, vector<16xi1>
          %add3A_196 = arith.addi %scan3A_183, %select_n3A : vector<16xi32>
          %gather3A_197 = arith.constant 1 : i32
          %gather3A_198 = arith.constant 0 : i32
          %gather3A_199 = tpu.memref_slice %arg8[%gather3A_197, %gather3A_198] : memref<2x3072xf32, #tpu.memory_space<vmem>> -> memref<1x3072xf32, #tpu.memory_space<vmem>>
          %gather3A_200 = tpu.memref_squeeze %gather3A_199 : memref<1x3072xf32, #tpu.memory_space<vmem>> -> memref<3072xf32, #tpu.memory_space<vmem>>
          %gather3A_201 = tpu.vector_load_idx %gather3A_200[%add3A_196] masked %lt3A_2 : memref<3072xf32, #tpu.memory_space<vmem>>[vector<16xi32>], vector<16xf32>, vector<16xi1>
          %add3A_202 = arith.addi %gather3A_193, %select_n3A : vector<16xi32>
          %sub3A = arith.subf %gather3A_195, %gather3A_201 : vector<16xf32>
          tpu.vector_store_idx %arg7[%add3A_202], %sub3A masked %lt3A_2 : memref<120000xf32, #tpu.memory_space<vmem>>[vector<16xi32>], vector<16xf32>, vector<16xi1>
          %add3A_203 = arith.constant 12 : i32
          %add3A_204 = vector.broadcast %add3A_203 : i32 to vector<16xi32>
          %add3A_205 = arith.addi %scan3A_183, %add3A_204 : vector<16xi32>
          scf.yield %add3A_205 : vector<16xi32>
        }
        %scan3A_181 = arith.constant 256 : i32
      } else {
      }
    }
    %scan3A_50 = arith.constant 313 : i32
    "tpu.region"() ({
      %run_scoped3A = tpu.sem_alloc : memref<!tpu.dma_semaphore, #tpu.memory_space<semaphore_mem>>
      %dma_start3A_51 = arith.constant 0 : i32
      %dma_start3A_52 = tpu.memref_slice %arg6[%add3A, %dma_start3A_51] : memref<32x120000xf32, #tpu.memory_space<hbm>> -> memref<1x120000xf32, #tpu.memory_space<hbm>>
      %dma_start3A_53 = tpu.memref_squeeze %dma_start3A_52 : memref<1x120000xf32, #tpu.memory_space<hbm>> -> memref<120000xf32, #tpu.memory_space<hbm>>
      %dma_start3A_54 = arith.constant 0 : i32
      %dma_start3A_55 = tpu.memref_slice %arg6[%add3A, %dma_start3A_54] : memref<32x120000xf32, #tpu.memory_space<hbm>> -> memref<1x120000xf32, #tpu.memory_space<hbm>>
      %dma_start3A_56 = tpu.memref_squeeze %dma_start3A_55 : memref<1x120000xf32, #tpu.memory_space<hbm>> -> memref<120000xf32, #tpu.memory_space<hbm>>
      tpu.enqueue_dma source(%arg7 : memref<120000xf32, #tpu.memory_space<vmem>>) target(%dma_start3A_56 : memref<120000xf32, #tpu.memory_space<hbm>>) target_semaphore(%run_scoped3A : memref<!tpu.dma_semaphore, #tpu.memory_space<semaphore_mem>>)
      %dma_wait3A = arith.constant 0 : i32
      %dma_wait3A_57 = tpu.memref_slice %arg6[%add3A, %dma_wait3A] : memref<32x120000xf32, #tpu.memory_space<hbm>> -> memref<1x120000xf32, #tpu.memory_space<hbm>>
      %dma_wait3A_58 = tpu.memref_squeeze %dma_wait3A_57 : memref<1x120000xf32, #tpu.memory_space<hbm>> -> memref<120000xf32, #tpu.memory_space<hbm>>
      %dma_wait3A_59 = arith.constant 0 : i32
      %dma_wait3A_60 = tpu.memref_slice %arg6[%add3A, %dma_wait3A_59] : memref<32x120000xf32, #tpu.memory_space<hbm>> -> memref<1x120000xf32, #tpu.memory_space<hbm>>
      %dma_wait3A_61 = tpu.memref_squeeze %dma_wait3A_60 : memref<1x120000xf32, #tpu.memory_space<hbm>> -> memref<120000xf32, #tpu.memory_space<hbm>>
      tpu.wait_dma2 semaphore(%run_scoped3A : memref<!tpu.dma_semaphore, #tpu.memory_space<semaphore_mem>>) src(%arg7 : memref<120000xf32, #tpu.memory_space<vmem>>) dst(%dma_wait3A_61 : memref<120000xf32, #tpu.memory_space<hbm>>)
      tpu.yield
    }) : () -> ()
    return
  }
}

</mosaic_0001>

<sc_bundles>
// kernel: kernel.3.cloned.1.call-start
scs
__scs_entry_jumppad:
0x0: {  	(pc) =	sbr.rel $0x88, $3  }
0x1: {  	(tag) =	ssettag $0x0;
	lr =	simm.s32 $0x1  }
0x2: {  	[smem:$0x3F9E] =	sst lr;
	_ =	strace $0xD0000000  }
0x3: {  	_ = 	snop  }
0x4: {  	_ = 	snop  }
0x5: {  	_ = 	snop  }
0x6: {  	_ = 	snop  }
0x7: {  	_ = 	snop  }
__scs_overlays_trampoline_lowered:
0x8: {  	[smem:$0x3FAD] =	sst s0  }
0x9: {  	[smem:$0x3FAE] =	sst s1  }
0xa: {  	[smem:$0x3FAF] =	sst s2  }
0xb: {  	[smem:$0x3FB0] =	sst s3  }
0xc: {  	[smem:$0x3FB1] =	sst s4  }
0xd: {  	[smem:$0x3FB2] =	sst s5  }
0xe: {  	[smem:$0x3FB3] =	sst s6  }
0xf: {  	[smem:$0x3FB4] =	sst s7  }
0x10: {  	[smem:$0x3FB5] =	sst s8  }
0x11: {  	[smem:$0x3FB6] =	sst s9;
	s0 =	simm.s32 @!p0 $0x0  }
0x12: {  	s1 =	sld [smem:$0x3F9C];
	s0 =	simm.s32 @p0 $0x1  }
0x13: {  	[smem:$0x3FB7] =	sst s0;
	s0 =	simm.s32 @!p1 $0x0  }
0x14: {  	s2 =	sld [smem:$0x3F9B];
	s0 =	simm.s32 @p1 $0x1  }
0x15: {  	[smem:$0x3FB8] =	sst s0;
	s0 =	simm.s32 @!p2 $0x0  }
0x16: {  	s3 =	sld [smem:$0x3FDB];
	s0 =	simm.s32 @p2 $0x1  }
0x17: {  	s4 =	simm.s32 $0x1BF5;
	[smem:$0x3FBA] =	sst s0  }
0x18: {  	s0 =	sld [smem:$0x3F9D];
	_ =	swait.ge [sflag:s4], $0x0  }
0x19: {  	s7 =	sld [smem:$0x3F9E]  }
0x1a: {  	s8 =	sadd.s32 $0xFFFFE003, lr  }
0x1b: {  	s9 =	sadd.s32 $0xFFFFFEF7, lr;
	s5 =	simm.s32 $0xFFFFFFFF;
	p2 =	slt.u32 s8, $0xFFFFF086  }
0x1c: {  	p1 =	slt.u32 s9, $0xF7A;
	s5 =	simm.s32 @!p2 $0x0  }
0x1d: {  	s5 =	simm.s32 @p1 $0x1;
	p0 =	seq.s32 s7, s2  }
0x1e: {  	s7 =	smul.u32 @!p0 $0xF7A, s2;
	p2 =	seq.s32 @!p0 s5, $0x0  }
0x1f: {  	s9 =	smul.u32 $0xF7A, s1;
	s8 =	simm.s32 @!p0 $0x1BF5;
	p2 =	por !p2, p0  }
0x20: {  	[sflag:s8] =	ssyncset.s32 @!p0 $0xFFFFF086;
	s6 =	sadd.s32 @!p0 s3, s7;
	s7 =	simm.s32 @!p0 $0x108  }
0x21: {  	s3 =	sadd.s32 s3, s9;
	s6 =	sadd.s32 @!p0 $0x88, s6;
	s7 =	simm.s32 @p2 $0x1082  }
0x22: {  	[simem:s7], [sflag:s8] =	dma.local @!p0 [hbm:s6], $0xF7A  }
0x23: {  	s9 =	sor.u32 $0xD0000000, s2;
	s6 =	simm.s32 $0x108;
	_ =	swait.ge @!p0 [sflag:s8], $0x0  }
0x24: {  	s3 =	sadd.s32 $0x88, s3;
	s6 =	simm.s32 @!p1 $0x1082;
	[sflag:s4] =	ssyncset.s32 $0xFFFFF086  }
0x25: {  	[simem:s6], [sflag:s4] =	dma.local [hbm:s3], $0xF7A  }
0x26: {  	[smem:$0x3F9E] =	sst s1;
	(tag) =	ssettag s2;
	_ =	strace s9  }
0x27: {  	s1 =	sld [smem:$0x3FAE]  }
0x28: {  	s2 =	sld [smem:$0x3FAF]  }
0x29: {  	s4 =	sld [smem:$0x3FB1]  }
0x2a: {  	p0 =	seq.s32 s5, $0x0;
	s5 =	sld [smem:$0x3FB2]  }
0x2b: {  	s6 =	sld [smem:$0x3FB3]  }
0x2c: {  	s7 =	sld [smem:$0x3FB4]  }
0x2d: {  	s3 =	simm.s32 $0x108;
	s8 =	sld [smem:$0x3FB5]  }
0x2e: {  	s3 =	simm.s32 @!p0 $0x1082;
	s9 =	sld [smem:$0x3FB6]  }
0x2f: {  	lr =	sadd.s32 s0, s3;
	s0 =	sld [smem:$0x3FAD]  }
0x30: {  	s3 =	sld [smem:$0x3FB0]  }
0x31: {  	[smem:$0x3FB9] =	sst s10  }
0x32: {  	s10 =	sld [smem:$0x3FB7];
	_ =	sdelay $0x3  }
0x33: {  	p0 =	seq.s32 s10, $0x1;
	s10 =	sld [smem:$0x3FB9];
	_ =	sdelay $0x3  }
0x34: {  	[smem:$0x3FB9] =	sst s10  }
0x35: {  	s10 =	sld [smem:$0x3FB8];
	_ =	sdelay $0x3  }
0x36: {  	p1 =	seq.s32 s10, $0x1;
	s10 =	sld [smem:$0x3FB9];
	_ =	sdelay $0x3  }
0x37: {  	[smem:$0x3FB9] =	sst s10  }
0x38: {  	s10 =	sld [smem:$0x3FBA]  }
0x39: {  	_ = 	snop;
	(pc) =	sbr.ind lr, $3  }
0x3a: {  	_ = 	snop  }
0x3b: {  	_ = 	snop  }
0x3c: {  	p2 =	seq.s32 s10, $0x1;
	s10 =	sld [smem:$0x3FB9]  }
0x3d: {  	_ =	shalt  }
0x3e: {  	_ =	shalt  }
0x3f: {  	_ =	shalt  }
0x40: {  	_ =	shalt  }
0x41: {  	_ =	shalt  }
0x42: {  	_ =	shalt  }
0x43: {  	_ =	shalt  }
0x44: {  	_ =	shalt  }
0x45: {  	_ =	shalt  }
0x46: {  	_ =	shalt  }
0x47: {  	_ =	shalt  }
0x48: {  	_ =	shalt  }
0x49: {  	_ =	shalt  }
0x4a: {  	_ =	shalt  }
0x4b: {  	_ =	shalt  }
0x4c: {  	_ =	shalt  }
0x4d: {  	_ =	shalt  }
0x4e: {  	_ =	shalt  }
0x4f: {  	_ =	shalt  }
0x50: {  	_ =	shalt  }
0x51: {  	_ =	shalt  }
0x52: {  	_ =	shalt  }
0x53: {  	_ =	shalt  }
0x54: {  	_ =	shalt  }
0x55: {  	_ =	shalt  }
0x56: {  	_ =	shalt  }
0x57: {  	_ =	shalt  }
0x58: {  	_ =	shalt  }
0x59: {  	_ =	shalt  }
0x5a: {  	_ =	shalt  }
0x5b: {  	_ =	shalt  }
0x5c: {  	_ =	shalt  }
0x5d: {  	_ =	shalt  }
0x5e: {  	_ =	shalt  }
0x5f: {  	_ =	shalt  }
0x60: {  	_ =	shalt  }
0x61: {  	_ =	shalt  }
0x62: {  	_ =	shalt  }
0x63: {  	_ =	shalt  }
0x64: {  	_ =	shalt  }
0x65: {  	_ =	shalt  }
0x66: {  	_ =	shalt  }
0x67: {  	_ =	shalt  }
0x68: {  	_ =	shalt  }
0x69: {  	_ =	shalt  }
0x6a: {  	_ =	shalt  }
0x6b: {  	_ =	shalt  }
0x6c: {  	_ =	shalt  }
0x6d: {  	_ =	shalt  }
0x6e: {  	_ =	shalt  }
0x6f: {  	_ =	shalt  }
0x70: {  	_ =	shalt  }
0x71: {  	_ =	shalt  }
0x72: {  	_ =	shalt  }
0x73: {  	_ =	shalt  }
0x74: {  	_ =	shalt  }
0x75: {  	_ =	shalt  }
0x76: {  	_ =	shalt  }
0x77: {  	_ =	shalt  }
0x78: {  	_ =	shalt  }
0x79: {  	_ =	shalt  }
0x7a: {  	_ =	shalt  }
0x7b: {  	_ =	shalt  }
0x7c: {  	_ =	shalt  }
0x7d: {  	_ =	shalt  }
0x7e: {  	_ =	shalt  }
0x7f: {  	_ =	shalt  }
0x80: {  	_ =	shalt  }
0x81: {  	_ =	shalt  }
0x82: {  	_ =	shalt  }
0x83: {  	_ =	shalt  }
0x84: {  	_ =	shalt  }
0x85: {  	_ =	shalt  }
0x86: {  	_ =	shalt  }
0x87: {  	_ =	shalt  }
.Lfunc_end0:
.L_simem_size_0:
called_computation.4_lowered:
.L_overlay_start_0:
0x88: {  	s2 =	sld [smem:$0x3FD9]  }
0x89: {  	s3 =	sld [smem:$0x3FFE];
	_ =	sdelay $0x1  }
0x8a: {  	s1 =	srdreg.scid  }
0x8b: {  	s0 =	sand.u32 $0x1, s1  }
0x8c: {  	s17 =	sshll.u32 s0, $0xA;
	s2 =	sadd.s32 s3, s2  }
0x8d: {  	s2 =	sadd.s32 s2, s17  }
0x8e: {  	[smem:$0x3FC5] =	sst s2  }
0x8f: {  	_ = 	snop  }
0x90: {  	s2 =	sld [smem:$0x3FD0];
	(tm) =	ssettm $0x1  }
0x91: {  	s18 =	sld [smem:$0x3FFB];
	_ =	sdelay $0x3  }
0x92: {  	_ =	strace s18  }
0x93: {  	s3 =	sld [smem:$0x3FFC];
	_ =	sdelay $0x3  }
0x94: {  	_ =	strace s3  }
0x95: {  	s3 =	sld [smem:$0x3FFD];
	_ =	sdelay $0x3  }
0x96: {  	_ =	strace s3  }
0x97: {  	_ =	strace $0x8FFFFFFF  }
0x98: {  	s19 =	sld [smem:$0x3FDB];
	_ =	sdelay $0x1  }
0x99: {  	s4 =	simm.s32 $_scs_section_size  }
0x9a: {  	s5 =	simm.s32 $_size__tile_overlayer_lowered;
	s6 =	simm.s32 $_tile_overlayer_lowered  }
0x9b: {  	s22 =	simm.s32 $0x1BFF;
	s21 =	sshll.u32 s6, $0x1;
	s3 =	sadd.s32 s4, s19  }
0x9c: {  	s7 =	simm.s32 $0x0;
	s20 =	sshll.u32 s5, $0x1;
	s5 =	sadd.s32 s21, s3  }
0x9d: {  	[timem:s7], [sflag:s22] =	dma.local [hbm:s5], s20  }
0x9e: {  	_ =	swait.ge [sflag:s22], s20  }
0x9f: {  	s4 =	ssub.s32 $0x0, s20;
	[sflag:s22] =	ssyncset.done $0x0  }
0xa0: {  	[sflag:s22] =	ssyncadd.s32 s4;
	_ =	sdelay $0x1  }
0xa1: {  	s23 =	simm.s32 $0x1B8B  }
0xa2: {  	_ =	swait.ge [sflag:s23], $0x1  }
0xa3: {  	[sflag:s23] =	ssyncset.done $0x0  }
0xa4: {  	s25 =	simm.s32 $0x1B8E;
	s24 =	sld [smem:$0x3FFE];
	[sflag:s23] =	ssyncadd.s32 $0xFFFFFFFF  }
0xa5: {  	s26 =	simm.s32 $execute0_lowered;
	[smem:$0x3FD2] =	sst s25  }
0xa6: {  	s5 =	sshll.u32 s26, $0x1;
	_ =	strace $0x80000052;
	[dreg:$0x1] =	wrdreg $0xFFFFFFFF  }
0xa7: {  	s28 =	simm.s32 $_size_execute0_lowered;
	s3 =	sadd.s32 s3, s5;
	[dreg:$0x0] =	wrdreg $0x0  }
0xa8: {  	s5 =	sshll.u32 s28, $0x1;
	[dreg:$0x2] =	wrdreg s3  }
0xa9: {  	[dreg:$0x3] =	wrdreg s5  }
0xaa: {  	[dreg:$0x4] =	wrdreg $0xC0  }
0xab: {  	_ =	task [dreg:s7], $0x5FFFF  }
0xac: {  	[dreg:$0x1] =	wrdreg $0xFFFFFFFF  }
0xad: {  	[dreg:$0x0] =	wrdreg $0x60  }
0xae: {  	[dreg:$0x2] =	wrdreg s2  }
0xaf: {  	[dreg:$0x3] =	wrdreg s24  }
0xb0: {  	[dreg:$0x4] =	wrdreg $0x9  }
0xb1: {  	_ =	task.clear_ibuf [dreg:s7], $0x5FFFF;
	_ =	strace $0x90000052  }
0xb2: {  	s29 =	simm.s32 $0x9;
	_ =	strace $0x80000054  }
0xb3: {  	_ =	swait.ge [sflag:s29], $0x1  }
0xb4: {  	[sflag:s29] =	ssyncadd.s32 $0xFFFFFFFF  }
0xb5: {  	_ =	strace $0x90000054  }
0xb6: {  	_ =	sfence  }
0xb7: {  	s30 =	sld [smem:$0x0];
	_ =	sdelay $0x2  }
0xb8: {  	s31 =	sshll.u32 s1, $0xD;
	s1 =	sshrl.u32 s1, $0x2  }
0xb9: {  	s3 =	sand.u32 $0x4000, s31;
	s1 =	sadd.s32 s1, s30  }
0xba: {  	s0 =	sor.u32 s3, s0;
	s1 =	sshll.u32 s1, $0x11  }
0xbb: {  	s0 =	sor.u32 s1, s0  }
0xbc: {  	s0 =	sadd.s32 $0x8F2B, s0  }
0xbd: {  	[sflag:s0] =	ssyncadd.remote.s32 $0x1  }
0xbe: {  	_ =	sfence.sel $0xFFFF  }
0xbf: {  	[dreg:$0x0] =	wrdreg $0xFFFFFFFF;
	(pc) =	sbr.abs _section_cstart, $3  }
0xc0: {  	[dreg:$0x1] =	wrdreg $0xFFFFFFFF  }
0xc1: {  	_ =	task.clear_ibuf [dreg:s7], $0x2FFFF;
	_ =	strace $0x9FFFFFFF  }
0xc2: {  	(tm) =	ssettm $0x7FFFFFFF  }
0xc3: {  	_ =	shalt  }
tec
execute0_lowered:
.L_overlay_start_1:
0x0: {  	(tag) =	ssettag $0x1  }
0x1: {  	s7 =	rddreg [dreg:$0x0]  }
0x2: {  	s8 =	rddreg [dreg:$0x1]  }
0x3: {  	s0 =	rddreg [dreg:$0x2]  }
0x4: {  	s3 =	srdreg.scid;
	s1 =	stileid.u32;
	s2 =	simm.s32 $0x0  }
0x5: {  	s14 =	simm.s32 $0x1EEC0;
	s15 =	simm.s32 $0x1;
	s16 =	simm.s32 $0x2  }
0x6: {  	s17 =	simm.s32 $0x1EDC0;
	s9 =	sand.u32 $0x1, s3;
	s30 =	sshll.u32 s1, $0x1  }
0x7: {  	v0 =	vimm.s32 $0x76543218;
	s18 =	simm.s32 $0x1EFC0;
	s19 =	simm.s32 $0x1E0C0;
	s4 =	sor.u32 s9, s30  }
0x8: {  	s20 =	simm.s32 $0x0;
	[smem:$0x7FF] =	sst s2;
	v0 =	vunpack.c.l.s4.s8 v0;
	s10 =	smul.u32 $0x3A98, s4  }
0x9: {  	s3 =	sadd.s32 $0x754200, s8;
	s9 =	ssub.s32 $0x2, s9;
	s4 =	smul.u32 $0x1D4C00, s4  }
.Ltmp0:
0xa: {  	s5 =	sadd.s32 $0xEAC200, s8;
	s31 =	sshrl.u32 s9, $0x1;
	v0 =	vunpack.c.0.s8.s32 v0;
	(pc) =	sbr.rel .LBB2_1-.Ltmp0, $4  }
0xb: {  	v1 =	vimm.s32 $0xB0A0900;
	s6 =	sadd.s32 $0xEA7200, s8;
	_ =	strace $0x80000053;
	s13 =	ssub.s32 s9, s31  }
0xc: {  	vm0 =	vcmask $0x2304;
	v1 =	vunpack.c.0.s8.s32 v1;
	s11 =	sadd.s32 s10, s8;
	s12 =	sshrl.u32 s4, $0x3;
	s7 =	sadd.s32 s7, s10;
	v0 =	vand.u32 $0xF, v0  }
0xd: {  	vm15 =	vcmask $0x3324;
	s10 =	smax.u32 s13, $0x1;
	s13 =	simm.s32 $0x1ECC0;
	s8 =	sadd.s32 s3, s12;
	v0 =	vnsel vm0, $0x0, v0  }
0xe: {  	s9 =	sadd.s32 $0x1200, s11;
	s11 =	simm.s32 $0x3;
	s12 =	simm.s32 $0x1D4C0;
	v0 =	vsel vm15, v1, v0  }
.LBB2_9:
0xf: {  	s20 =	sadd.s32 $0x1, s20  }
0x10: {  	p0 =	sne.s32 s20, s10  }
.Ltmp1:
0x11: {  	_ = 	snop;
	(pc) =	sbr.rel @!p0 .LBB2_10-.Ltmp1, $4  }
0x12: {  	[hbm4b:s9+s2] =	stream.linear.scatter [tilespmem:s2], [sflag:$0x3], $0x1D4C0, $0x38;
	[tilespmem:$0x1F0C0] =	vst v63  }
0x13: {  	_ =	swait.ge [sflag:s11], $0x1D4C0  }
0x14: {  	[sflag:s11] =	ssyncset.done $0x0  }
0x15: {  	[sflag:s11] =	ssyncadd.s32 $0xFFFE2B40  }
.LBB2_1:
0x16: {  	[tilespmem:s2], [sflag:$0x3] =	stream.linear.gather [hbm4b:s7+s2], $0x1D4C0, $0x38;
	[tilespmem:$0x1F0C0] =	vst v63  }
0x17: {  	_ =	swait.ge [sflag:s11], $0x1D4C0  }
0x18: {  	[sflag:s11] =	ssyncset.done $0x0  }
0x19: {  	[sflag:s11] =	ssyncadd.s32 $0xFFFE2B40  }
0x1a: {  	[tilespmem:s12], [sflag:$0x1] =	stream.linear.gather [hbm4b:s8+s2], $0xC00, $0x38;
	[tilespmem:$0x1F0C0] =	vst v63  }
.Ltmp2:
0x1b: {  	_ = 	snop;
	(pc) =	sbr.rel .LBB2_2-.Ltmp2, $4  }
0x1c: {  	_ = 	snop  }
0x1d: {  	[tilespmem:s13], [sflag:$0x1] =	stream.linear.gather [hbm4b:s5+s2], $0x100, $0x38;
	[tilespmem:$0x1F0C0] =	vst v63  }
0x1e: {  	s21 =	simm.s32 $0x0  }
0x1f: {  	[tilespmem:s14], [sflag:$0x1] =	stream.linear.gather [hbm4b:s6+s2], $0x100, $0x38;
	[tilespmem:$0x1F0C0] =	vst v63  }
.LBB2_8:
0x20: {  	s21 =	sadd.s32 $0x1, s21  }
0x21: {  	p0 =	sne.s32 s21, $0x139  }
.Ltmp3:
0x22: {  	_ = 	snop;
	(pc) =	sbr.rel @!p0 .LBB2_9-.Ltmp3, $1  }
0x23: {  	_ =	sdelay $0x3  }
.LBB2_2:
0x24: {  	s22 =	sshllo.u32 s21, $0x1  }
0x25: {  	p0 =	sgt.u32 s22, $0x270  }
0x26: {  	s23 =	smul.u32 @!p0 $0xC00, s22;
	_ =	sdelay $0x1  }
0x27: {  	s23 =	sadd.s32 @!p0 s4, s23  }
0x28: {  	s24 =	simm.s32 @!p0 $0x0;
	s23 =	sshrl.u32 @!p0 s23, $0x3  }
0x29: {  	s25 =	simm.s32 @!p0 $0x1E0C0;
	s22 =	sshll.u32 @!p0 s22, $0x5;
	s23 =	sadd.s32 @!p0 s3, s23  }
0x2a: {  	[tilespmem:s25], [sflag:$0x2] =	stream.linear.gather @!p0 [hbm4b:s23+s24], $0xC00, $0x38;
	[tilespmem:$0x1F0C0] =	vst v63  }
0x2b: {  	s23 =	sadd.s32 @!p0 s5, s22;
	s25 =	simm.s32 @!p0 $0x1EDC0  }
0x2c: {  	[tilespmem:s25], [sflag:$0x2] =	stream.linear.gather @!p0 [hbm4b:s23+s24], $0x100, $0x38;
	[tilespmem:$0x1F0C0] =	vst v63  }
0x2d: {  	s22 =	sadd.s32 @!p0 s6, s22;
	s23 =	simm.s32 @!p0 $0x1EFC0  }
0x2e: {  	[tilespmem:s23], [sflag:$0x2] =	stream.linear.gather @!p0 [hbm4b:s22+s24], $0x100, $0x38;
	[tilespmem:$0x1F0C0] =	vst v63  }
0x2f: {  	_ =	swait.ge [sflag:s15], $0xC00  }
0x30: {  	[sflag:s15] =	ssyncset.done $0x0  }
0x31: {  	[sflag:s15] =	ssyncadd.s32 $0xFFFFF400  }
0x32: {  	s30 =	simm.s32 $0x0;
	_ =	swait.ge [sflag:s15], $0x100  }
0x33: {  	v2 =	vmov s30;
	[sflag:s15] =	ssyncset.done $0x0  }
0x34: {  	[sflag:s15] =	ssyncadd.s32 $0xFFFFFF00  }
0x35: {  	_ =	swait.ge [sflag:s15], $0x100  }
0x36: {  	[sflag:s15] =	ssyncset.done $0x0  }
0x37: {  	[sflag:s15] =	ssyncadd.s32 $0xFFFFFF00  }
0x38: {  	v3 =	vld.idx.msk [tilespmem:v2+s13+$0x0], $0xffff;
	_ =	sdelay $0x2  }
0x39: {  	v1 =	vimm.s32 $0x0  }
0x3a: {  	v4 =	vadd.s32 v0, v1  }
0x3b: {  	v5 =	vadd.s32 v0, v3;
	_ =	sdelay $0x1  }
0x3c: {  	v2 =	vld.idx.msk [tilespmem:v2+s14+$0x0], $0xffff;
	_ =	sdelay $0x1  }
0x3d: {  	v3 =	vld.idx.msk [tilespmem:v4+s12+$0x0], $0xfff  }
0x3e: {  	v4 =	vld.idx.msk [tilespmem:v5+s2+$0x0], $0xfff;
	_ =	sdelay $0x1  }
0x3f: {  	s31 =	simm.s32 $0x1;
	v5 =	vadd.s32 v0, v2  }
0x40: {  	s22 =	sshll.u32 s21, $0x1;
	s23 =	simm.s32 $0x2;
	v2 =	vmov s31  }
.LBB2_3:
0x41: {  	p1 =	sne.s32 s23, $0xFF  }
0x42: {  	v3 =	vsub.f32 v4, v3;
	_ =	sdelay $0x1  }
0x43: {  	[tilespmem:v5+s2+$0x0] =	vst.idx.msk $0xfff, v3  }
0x44: {  	v3 =	vld.idx.msk [tilespmem:v2+s13+$0x0], $0xffff;
	_ =	sdelay $0x3  }
0x45: {  	v1 =	vadd.s32 $0xC, v1  }
0x46: {  	v4 =	vadd.s32 v0, v1  }
0x47: {  	v5 =	vadd.s32 v0, v3;
	_ =	sdelay $0x1  }
0x48: {  	v2 =	vld.idx.msk [tilespmem:v2+s14+$0x0], $0xffff;
	_ =	sdelay $0x1  }
0x49: {  	v3 =	vld.idx.msk [tilespmem:v4+s12+$0x0], $0xfff  }
.Ltmp4:
0x4a: {  	v4 =	vld.idx.msk [tilespmem:v5+s2+$0x0], $0xfff;
	(pc) =	sbr.rel @p1 .LBB2_3-.Ltmp4, $3  }
0x4b: {  	_ =	sdelay $0x1  }
0x4c: {  	v5 =	vadd.s32 v0, v2  }
0x4d: {  	v2 =	vmov s23;
	s23 =	sadd.s32 $0x1, s23  }
0x4e: {  	_ =	sdelay $0x1  }
0x4f: {  	v3 =	vsub.f32 v4, v3;
	_ =	sdelay $0x1  }
0x50: {  	[tilespmem:v5+s2+$0x0] =	vst.idx.msk $0xfff, v3  }
0x51: {  	v3 =	vld.idx.msk [tilespmem:v2+s13+$0x0], $0xffff;
	_ =	sdelay $0x2  }
0x52: {  	v1 =	vadd.s32 $0xC, v1  }
0x53: {  	v1 =	vadd.s32 v0, v1  }
0x54: {  	v3 =	vadd.s32 v0, v3;
	_ =	sdelay $0x1  }
0x55: {  	v2 =	vld.idx.msk [tilespmem:v2+s14+$0x0], $0xffff;
	_ =	sdelay $0x1  }
0x56: {  	v1 =	vld.idx.msk [tilespmem:v1+s12+$0x0], $0xfff  }
0x57: {  	v3 =	vld.idx.msk [tilespmem:v3+s2+$0x0], $0xfff  }
0x58: {  	p1 =	seq.s32 s21, $0x138  }
0x59: {  	s22 =	sadd.s32 @!p1 $0x2, s22;
	v2 =	vadd.s32 v0, v2  }
0x5a: {  	s23 =	smul.u32 @!p1 $0xC00, s22;
	_ =	sdelay $0x1  }
0x5b: {  	s23 =	sadd.s32 @!p1 s4, s23;
	v1 =	vsub.f32 v3, v1  }
0x5c: {  	s23 =	sshrl.u32 @!p1 s23, $0x3  }
0x5d: {  	s24 =	simm.s32 @!p1 $0x0;
	s25 =	simm.s32 @!p1 $0x1D4C0;
	s23 =	sadd.s32 @!p1 s3, s23;
	[tilespmem:v2+s2+$0x0] =	vst.idx.msk $0xfff, v1  }
0x5e: {  	[tilespmem:s25], [sflag:$0x1] =	stream.linear.gather @!p1 [hbm4b:s23+s24], $0xC00, $0x38;
	[tilespmem:$0x1F0C0] =	vst v63  }
.Ltmp5:
0x5f: {  	s22 =	sshll.u32 @!p1 s22, $0x5;
	(pc) =	sbr.rel @p0 .LBB2_8-.Ltmp5, $4  }
0x60: {  	s23 =	sadd.s32 @!p1 s5, s22;
	s25 =	simm.s32 @!p1 $0x1ECC0  }
0x61: {  	[tilespmem:s25], [sflag:$0x1] =	stream.linear.gather @!p1 [hbm4b:s23+s24], $0x100, $0x38;
	[tilespmem:$0x1F0C0] =	vst v63  }
0x62: {  	s22 =	sadd.s32 @!p1 s6, s22;
	s23 =	simm.s32 @!p1 $0x1EEC0  }
0x63: {  	[tilespmem:s23], [sflag:$0x1] =	stream.linear.gather @!p1 [hbm4b:s22+s24], $0x100, $0x38;
	[tilespmem:$0x1F0C0] =	vst v63  }
0x64: {  	_ =	swait.ge [sflag:s16], $0xC00  }
0x65: {  	[sflag:s16] =	ssyncset.done $0x0  }
0x66: {  	[sflag:s16] =	ssyncadd.s32 $0xFFFFF400  }
0x67: {  	s22 =	simm.s32 $0x0;
	_ =	swait.ge [sflag:s16], $0x100  }
0x68: {  	v2 =	vmov s22;
	[sflag:s16] =	ssyncset.done $0x0  }
0x69: {  	[sflag:s16] =	ssyncadd.s32 $0xFFFFFF00  }
0x6a: {  	_ =	swait.ge [sflag:s16], $0x100  }
0x6b: {  	[sflag:s16] =	ssyncset.done $0x0  }
0x6c: {  	[sflag:s16] =	ssyncadd.s32 $0xFFFFFF00  }
0x6d: {  	v3 =	vld.idx.msk [tilespmem:v2+s17+$0x0], $0xffff;
	_ =	sdelay $0x2  }
0x6e: {  	v1 =	vimm.s32 $0x0  }
0x6f: {  	v4 =	vadd.s32 v0, v1  }
0x70: {  	v5 =	vadd.s32 v0, v3;
	_ =	sdelay $0x1  }
0x71: {  	v2 =	vld.idx.msk [tilespmem:v2+s18+$0x0], $0xffff;
	_ =	sdelay $0x1  }
0x72: {  	v3 =	vld.idx.msk [tilespmem:v4+s19+$0x0], $0xfff  }
0x73: {  	v4 =	vld.idx.msk [tilespmem:v5+s2+$0x0], $0xfff;
	_ =	sdelay $0x1  }
0x74: {  	s31 =	simm.s32 $0x1;
	v5 =	vadd.s32 v0, v2  }
0x75: {  	s22 =	simm.s32 $0x2;
	v2 =	vmov s31  }
.LBB2_6:
0x76: {  	p0 =	sne.s32 s22, $0xFF  }
0x77: {  	v3 =	vsub.f32 v4, v3;
	_ =	sdelay $0x1  }
0x78: {  	[tilespmem:v5+s2+$0x0] =	vst.idx.msk $0xfff, v3  }
0x79: {  	v3 =	vld.idx.msk [tilespmem:v2+s17+$0x0], $0xffff;
	_ =	sdelay $0x3  }
0x7a: {  	v1 =	vadd.s32 $0xC, v1  }
0x7b: {  	v4 =	vadd.s32 v0, v1  }
0x7c: {  	v5 =	vadd.s32 v0, v3;
	_ =	sdelay $0x1  }
0x7d: {  	v2 =	vld.idx.msk [tilespmem:v2+s18+$0x0], $0xffff;
	_ =	sdelay $0x1  }
0x7e: {  	v3 =	vld.idx.msk [tilespmem:v4+s19+$0x0], $0xfff  }
.Ltmp6:
0x7f: {  	v4 =	vld.idx.msk [tilespmem:v5+s2+$0x0], $0xfff;
	(pc) =	sbr.rel @p0 .LBB2_6-.Ltmp6, $3  }
0x80: {  	_ =	sdelay $0x1  }
0x81: {  	v5 =	vadd.s32 v0, v2  }
0x82: {  	v2 =	vmov s22;
	s22 =	sadd.s32 $0x1, s22  }
0x83: {  	_ =	sdelay $0x1  }
0x84: {  	v3 =	vsub.f32 v4, v3;
	_ =	sdelay $0x1  }
0x85: {  	[tilespmem:v5+s2+$0x0] =	vst.idx.msk $0xfff, v3  }
0x86: {  	v3 =	vld.idx.msk [tilespmem:v2+s17+$0x0], $0xffff;
	_ =	sdelay $0x2  }
0x87: {  	v1 =	vadd.s32 $0xC, v1  }
0x88: {  	v1 =	vadd.s32 v0, v1  }
0x89: {  	v3 =	vadd.s32 v0, v3;
	_ =	sdelay $0x1  }
0x8a: {  	v2 =	vld.idx.msk [tilespmem:v2+s18+$0x0], $0xffff;
	_ =	sdelay $0x1  }
0x8b: {  	v1 =	vld.idx.msk [tilespmem:v1+s19+$0x0], $0xfff  }
0x8c: {  	v3 =	vld.idx.msk [tilespmem:v3+s2+$0x0], $0xfff;
	_ =	sdelay $0x1  }
0x8d: {  	v2 =	vadd.s32 v0, v2  }
.Ltmp7:
0x8e: {  	_ = 	snop;
	(pc) =	sbr.rel .LBB2_8-.Ltmp7, $3  }
0x8f: {  	_ = 	snop  }
0x90: {  	v1 =	vsub.f32 v3, v1;
	_ =	sdelay $0x1  }
0x91: {  	[tilespmem:v2+s2+$0x0] =	vst.idx.msk $0xfff, v1  }
.LBB2_10:
0x92: {  	_ =	sfence.sel $0x180000  }
0x93: {  	[bflag:$0x0] =	sbarrier.arrive $0xFFFF  }
0x94: {  	p0 =	sne.s32 s1, $0x0;
	_ =	strace $0x90000053  }
0x95: {  	s0 =	sadd.s32 @!p0 $0x100000, s0;
	[bflag:$0x2] =	sbarrier.arrive $0xFFFF  }
0x96: {  	[sflag:s0] =	ssyncadd.tile.s32 @!p0 $0x1;
	_ =	shalt  }
.Lfunc_end2:
_tile_overlayer_lowered:
.L_overlay_start_2:
0x97: {  	(tag) =	ssettag $0x2  }
0x98: {  	s0 =	rddreg [dreg:$0x0];
	s2 =	stileid.u32  }
0x99: {  	s1 =	rddreg [dreg:$0x1];
	p0 =	sne.s32 s2, $0x0  }
0x9a: {  	s3 =	rddreg [dreg:$0x2];
	[bflag:$0x3] =	sbarrier.arrive $0xFFFF;
	s2 =	simm.s32 @!p0 $0x1C03  }
0x9b: {  	[timem:s3], [sflag:s2] =	dma.local @!p0 [hbm:s0], s1  }
0x9c: {  	s0 =	simm.s32 @!p0 $0x3  }
0x9d: {  	_ =	swait.ge @!p0 [sflag:s0], s1  }
0x9e: {  	s1 =	ssub.s32 @!p0 $0x0, s1;
	[sflag:s0] =	ssyncset.done @!p0 $0x0  }
0x9f: {  	[sflag:s0] =	ssyncadd.s32 @!p0 s1  }
0xa0: {  	[bflag:$0x3] =	sbarrier.arrive $0xFFFF  }
0xa1: {  	_ =	shalt  }

// kernel: sparse-core-data-format-call.1.cloned.1.call-start
scs
called_computation.1_lowered:
.L_overlay_start_0:
0x0: {  	s1 =	sld [smem:$0x3FD9]  }
0x1: {  	s2 =	sld [smem:$0x3FFE];
	_ =	sdelay $0x1  }
0x2: {  	s3 =	srdreg.scid  }
0x3: {  	s0 =	sand.u32 $0x1, s3  }
0x4: {  	s17 =	sshll.u32 s0, $0xA;
	s1 =	sadd.s32 s2, s1  }
0x5: {  	s1 =	sadd.s32 s1, s17  }
0x6: {  	[smem:$0x3FC5] =	sst s1  }
0x7: {  	_ = 	snop  }
0x8: {  	(tm) =	ssettm $0x1  }
0x9: {  	s18 =	sld [smem:$0x3FFB];
	_ =	sdelay $0x3  }
0xa: {  	_ =	strace s18  }
0xb: {  	s1 =	sld [smem:$0x3FFC];
	_ =	sdelay $0x3  }
0xc: {  	_ =	strace s1  }
0xd: {  	s1 =	sld [smem:$0x3FFD];
	_ =	sdelay $0x3  }
0xe: {  	_ =	strace s1  }
0xf: {  	_ =	strace $0x8FFFFFFF  }
0x10: {  	s19 =	sld [smem:$0x3FDB];
	_ =	sdelay $0x1  }
0x11: {  	s20 =	simm.s32 $_scs_section_size  }
0x12: {  	s4 =	simm.s32 $_size__tile_overlayer_lowered;
	s5 =	simm.s32 $_tile_overlayer_lowered  }
0x13: {  	s23 =	simm.s32 $0x1BFF;
	s22 =	sshll.u32 s5, $0x1;
	s1 =	sadd.s32 s20, s19  }
0x14: {  	s6 =	simm.s32 $0x0;
	s21 =	sshll.u32 s4, $0x1;
	s4 =	sadd.s32 s22, s1  }
0x15: {  	[timem:s6], [sflag:s23] =	dma.local [hbm:s4], s21  }
0x16: {  	_ =	swait.ge [sflag:s23], s21  }
0x17: {  	s2 =	ssub.s32 $0x0, s21;
	[sflag:s23] =	ssyncset.done $0x0  }
0x18: {  	[sflag:s23] =	ssyncadd.s32 s2;
	_ =	sdelay $0x1  }
0x19: {  	s24 =	simm.s32 $0x1B8B  }
0x1a: {  	_ =	swait.ge [sflag:s24], $0x1  }
0x1b: {  	[sflag:s24] =	ssyncset.done $0x0  }
0x1c: {  	s26 =	simm.s32 $0x1B8E;
	s25 =	sld [smem:$0x3FFE];
	[sflag:s24] =	ssyncadd.s32 $0xFFFFFFFF  }
0x1d: {  	s27 =	simm.s32 $execute0_lowered;
	[smem:$0x3FD2] =	sst s26  }
0x1e: {  	s4 =	sshll.u32 s27, $0x1;
	_ =	strace $0x8000004C;
	[dreg:$0x1] =	wrdreg $0xFFFFFFFF  }
0x1f: {  	s28 =	simm.s32 $_size_execute0_lowered;
	s1 =	sadd.s32 s1, s4;
	[dreg:$0x0] =	wrdreg $0x0  }
0x20: {  	s4 =	sshll.u32 s28, $0x1;
	[dreg:$0x2] =	wrdreg s1  }
0x21: {  	[dreg:$0x3] =	wrdreg s4  }
0x22: {  	[dreg:$0x4] =	wrdreg $0xC0  }
0x23: {  	_ =	task [dreg:s6], $0x5FFFF  }
0x24: {  	[dreg:$0x1] =	wrdreg $0xFFFFFFFF  }
0x25: {  	[dreg:$0x0] =	wrdreg $0x60  }
0x26: {  	[dreg:$0x2] =	wrdreg s25  }
0x27: {  	[dreg:$0x3] =	wrdreg $0x9  }
0x28: {  	_ =	task.clear_ibuf [dreg:s6], $0x4FFFF;
	_ =	strace $0x9000004C  }
0x29: {  	s29 =	simm.s32 $0x9;
	_ =	strace $0x8000004E  }
0x2a: {  	_ =	swait.ge [sflag:s29], $0x1  }
0x2b: {  	[sflag:s29] =	ssyncadd.s32 $0xFFFFFFFF  }
0x2c: {  	_ =	strace $0x9000004E  }
0x2d: {  	_ =	sfence  }
0x2e: {  	s30 =	sld [smem:$0x0];
	_ =	sdelay $0x2  }
0x2f: {  	s31 =	sshll.u32 s3, $0xD;
	s3 =	sshrl.u32 s3, $0x2  }
0x30: {  	s2 =	sand.u32 $0x4000, s31;
	s1 =	sadd.s32 s3, s30  }
0x31: {  	s0 =	sor.u32 s2, s0;
	s1 =	sshll.u32 s1, $0x11  }
0x32: {  	s0 =	sor.u32 s1, s0  }
0x33: {  	s0 =	sadd.s32 $0x8F2B, s0  }
0x34: {  	[sflag:s0] =	ssyncadd.remote.s32 $0x1  }
0x35: {  	_ =	sfence.sel $0xFFFF  }
0x36: {  	[dreg:$0x0] =	wrdreg $0xFFFFFFFF;
	(pc) =	sbr.abs _section_cstart, $3  }
0x37: {  	[dreg:$0x1] =	wrdreg $0xFFFFFFFF  }
0x38: {  	_ =	task.clear_ibuf [dreg:s6], $0x2FFFF;
	_ =	strace $0x9FFFFFFF  }
0x39: {  	(tm) =	ssettm $0x7FFFFFFF  }
tec
execute0_lowered:
.L_overlay_start_1:
0x0: {  	(tag) =	ssettag $0x1  }
0x1: {  	s0 =	srdreg.scid  }
0x2: {  	s1 =	sshll.u32 s0, $0x4  }
0x3: {  	s4 =	rddreg [dreg:$0x0];
	s0 =	stileid.u32;
	s1 =	sand.u32 $0x10, s1  }
0x4: {  	s7 =	simm.s32 $0x1;
	s8 =	simm.s32 $0x2;
	s2 =	sor.u32 s0, s1  }
0x5: {  	s11 =	simm.s32 $0x0;
	s3 =	sadd.s32 $0x3828200, s4;
	s2 =	sshll.u32 s2, $0x7  }
0x6: {  	s10 =	simm.s32 $0x0;
	s4 =	sadd.s32 $0x1200, s4;
	s6 =	ssub.s32 $0x1D4C00, s2  }
.Ltmp0:
0x7: {  	s1 =	rddreg [dreg:$0x1];
	s5 =	sand.u32 $0xF80, s6;
	(pc) =	sbr.rel .LBB1_1-.Ltmp0, $4  }
0x8: {  	_ =	strace $0x8000004D;
	s9 =	smov.u32 s2;
	p0 =	sne.s32 s5, $0x0  }
0x9: {  	s6 =	sshrl.u32 s6, $0xC;
	s5 =	simm.s32 $0x1;
	s7 =	simm.s32 @!p0 $0x0  }
0xa: {  	[sflag:s5] =	ssyncpa.u1 $0x0;
	p0 =	por $0x0, $0x0;
	s6 =	sadd.s32 s7, s6  }
0xb: {  	[sflag:s8] =	ssyncpa.u1 $0x0;
	s8 =	simm.s32 $0xEA6000;
	s7 =	sadd.s32 $0x1, s6  }
.LBB1_4:
0xc: {  	s14 =	sshll.u32 s11, $0x3  }
0xd: {  	s30 =	sand.u32 $0x7F, s11;
	s15 =	sand.u32 $0xFFFFFC00, s14  }
0xe: {  	s11 =	sor.u32 s30, s15  }
0xf: {  	s15 =	smulhi.u32 $0x45E7B273, s11  }
0x10: {  	s14 =	smulhi.u32 $0x45E7B273, s14  }
0x11: {  	s15 =	sshrl.u32 s15, $0x13  }
0x12: {  	s14 =	sshrl.u32 s14, $0x13;
	s15 =	smul.u32 $0x1D4C00, s15  }
0x13: {  	s14 =	sand.u32 $0x1F, s14  }
0x14: {  	s14 =	smul.u32 $0x3A980, s14;
	s11 =	ssub.s32 s11, s15  }
0x15: {  	s15 =	sand.u32 $0x7, s11  }
0x16: {  	s14 =	sadd.s32 s4, s14;
	s11 =	sshrl.u32 s11, $0x3;
	s15 =	sshll.u32 s15, $0x12  }
0x17: {  	[tilespmem:s13+$0x0 ss:$0x81] =	vst.msk $0xffff, v0;
	s11 =	sadd.s32 s11, s14;
	s31 =	sor.u32 $0x400, s15  }
0x18: {  	[hbm4b:s11+s31] =	stream.strided.scatter [tilespmem:s12], [sflag:$0x2], $0x1000, s8, s31, $0x20;
	[tilespmem:$0x4040] =	vst v63  }
.LBB1_5:
0x19: {  	s13 =	sadd.s32 $0x1000, s9  }
0x1a: {  	p2 =	sgt.s32 s13, $0x1D4BFF  }
0x1b: {  	s13 =	smov.u32 @p2 s2;
	p2 =	sne.s32 s10, s7  }
.Ltmp1:
0x1c: {  	p1 =	slt.u32 s10, $0x2;
	(pc) =	sbr.rel @!p2 .LBB1_6-.Ltmp1, $4  }
0x1d: {  	s12 =	simm.s32 @!p1 $0x2  }
0x1e: {  	s14 =	sadd.s32 $0x1, s10;
	_ =	swait.ge @!p1 [sflag:s12], $0x1000  }
0x1f: {  	s11 =	smov.u32 s9;
	p0 =	por !p0, !p0;
	[sflag:s12] =	ssyncset.done @!p1 $0x0  }
0x20: {  	s10 =	smov.u32 s14;
	s9 =	smov.u32 s13;
	[sflag:s12] =	ssyncadd.s32 @!p1 $0xFFFFF000  }
.LBB1_1:
0x21: {  	p1 =	sge.u32 s10, s6  }
0x22: {  	s12 =	sand.u32 @!p1 $0x1FFFFFF, s9  }
0x23: {  	s13 =	smulhi.u32 @!p1 $0x8BCF65, s12;
	_ =	sdelay $0x1  }
0x24: {  	s13 =	sshrl.u32 @!p1 s13, $0xC  }
0x25: {  	s13 =	smul.u32 @!p1 $0x1D4C00, s13;
	_ =	sdelay $0x1  }
0x26: {  	s31 =	sadd.s32 $0xFFFFFFFF, s10;
	s14 =	sxor.u32 @!p1 $0xFFFFFFFF, s10;
	s12 =	ssub.s32 @!p1 s12, s13  }
0x27: {  	s15 =	simm.s32 @!p1 $0x80;
	s14 =	sshll.u32 @!p1 s14, $0xC;
	s12 =	sshll.u32 @!p1 s12, $0x4  }
0x28: {  	s13 =	sand.u32 @!p1 $0x1000, s14;
	s14 =	simm.s32 @!p1 $0x20;
	s12 =	sadd.s32 @!p1 s3, s12  }
0x29: {  	[tilespmem:s13], [sflag:$0x1] =	stream.strided.gather @!p1 [hbm4b:s12+s14], $0x1000, s15, s14, $0x38;
	[tilespmem:$0x4040] =	vst v63  }
0x2a: {  	p1 =	sge.u32 s31, s6  }
.Ltmp2:
0x2b: {  	_ = 	snop;
	(pc) =	sbr.rel @p1 .LBB1_5-.Ltmp2, $1  }
0x2c: {  	_ =	sdelay $0x3  }
0x2d: {  	s12 =	simm.s32 $0x1  }
0x2e: {  	_ =	swait.ge [sflag:s5], $0x1000;
	s12 =	simm.s32 @!p0 $0x0  }
0x2f: {  	[sflag:s5] =	ssyncset.done $0x0;
	s13 =	sshll.u32 s12, $0xC  }
0x30: {  	[sflag:s5] =	ssyncadd.s32 $0xFFFFF000;
	s16 =	sor.u32 $0x10, s13  }
0x31: {  	s12 =	smul.u32 $0x4080, s12;
	v1 =	vld [tilespmem:s16+$0x0]  }
0x32: {  	s30 =	sand.u32 $0x1, s10;
	v0 =	vld [tilespmem:s16+$0xFFFFFFF0]  }
0x33: {  	s13 =	smul.u32 $0x4080, s30;
	s12 =	sshrl.u32 s12, $0x2  }
0x34: {  	s14 =	sor.u32 $0x2000, s12  }
0x35: {  	s31 =	sshrl.u32 s13, $0x2;
	s13 =	sadd.s32 $0x0, s14  }
0x36: {  	s15 =	simm.s32 $0x4;
	s16 =	sadd.s32 $0x20, s16;
	s12 =	sor.u32 $0x2000, s31;
	[tilespmem:s13+$0x810 ss:$0x81] =	vst.msk $0xffff, v1  }
.LBB1_3:
0x37: {  	v1 =	vld [tilespmem:s16+$0x0];
	p1 =	sne.s32 s15, $0x1FC;
	[tilespmem:s13+$0x0 ss:$0x81] =	vst.msk $0xffff, v0;
	s13 =	smov.u32 s15;
	s15 =	sadd.s32 $0x4, s15  }
.Ltmp3:
0x38: {  	v0 =	vld [tilespmem:s16+$0xFFFFFFF0];
	(pc) =	sbr.rel @p1 .LBB1_3-.Ltmp3, $4  }
0x39: {  	_ = 	snop  }
0x3a: {  	s13 =	sshra.s32 s13, $0x2  }
0x3b: {  	s13 =	sadd.s32 s13, s14  }
0x3c: {  	s16 =	sadd.s32 $0x20, s16;
	[tilespmem:s13+$0x810 ss:$0x81] =	vst.msk $0xffff, v1  }
.Ltmp4:
0x3d: {  	_ = 	snop;
	(pc) =	sbr.rel .LBB1_4-.Ltmp4, $1  }
0x3e: {  	_ =	sdelay $0x3  }
.LBB1_6:
0x3f: {  	_ =	sfence.sel $0x180000  }
0x40: {  	s2 =	simm.s32 $0x1;
	[bflag:$0x0] =	sbarrier.arrive $0xFFFF  }
0x41: {  	s31 =	simm.s32 $0x2;
	[sflag:s2] =	ssyncpa.u1 $0x1  }
0x42: {  	[sflag:s31] =	ssyncpa.u1 $0x1  }
0x43: {  	p0 =	sne.s32 s0, $0x0;
	_ =	strace $0x9000004D  }
0x44: {  	s0 =	sadd.s32 @!p0 $0x100000, s1;
	[bflag:$0x2] =	sbarrier.arrive $0xFFFF  }
0x45: {  	[sflag:s0] =	ssyncadd.tile.s32 @!p0 $0x1;
	_ =	shalt  }
.Lfunc_end1:
_tile_overlayer_lowered:
.L_overlay_start_2:
0x46: {  	(tag) =	ssettag $0x2  }
0x47: {  	s0 =	rddreg [dreg:$0x0];
	s2 =	stileid.u32  }
0x48: {  	s1 =	rddreg [dreg:$0x1];
	p0 =	sne.s32 s2, $0x0  }
0x49: {  	s3 =	rddreg [dreg:$0x2];
	[bflag:$0x3] =	sbarrier.arrive $0xFFFF;
	s2 =	simm.s32 @!p0 $0x1C01  }
0x4a: {  	[timem:s3], [sflag:s2] =	dma.local @!p0 [hbm:s0], s1  }
0x4b: {  	s0 =	simm.s32 @!p0 $0x1  }
0x4c: {  	_ =	swait.ge @!p0 [sflag:s0], s1  }
0x4d: {  	s1 =	ssub.s32 @!p0 $0x0, s1;
	[sflag:s0] =	ssyncset.done @!p0 $0x0  }
0x4e: {  	[sflag:s0] =	ssyncadd.s32 @!p0 s1  }
0x4f: {  	[bflag:$0x3] =	sbarrier.arrive $0xFFFF  }
0x50: {  	_ =	shalt  }

// kernel: sparse-core-data-format-call.2.cloned.1.call-start
scs
called_computation.2_lowered:
.L_overlay_start_0:
0x0: {  	s1 =	sld [smem:$0x3FD9]  }
0x1: {  	s2 =	sld [smem:$0x3FFE];
	_ =	sdelay $0x1  }
0x2: {  	s3 =	srdreg.scid  }
0x3: {  	s0 =	sand.u32 $0x1, s3  }
0x4: {  	s17 =	sshll.u32 s0, $0xA;
	s1 =	sadd.s32 s2, s1  }
0x5: {  	s1 =	sadd.s32 s1, s17  }
0x6: {  	[smem:$0x3FC5] =	sst s1  }
0x7: {  	_ = 	snop  }
0x8: {  	(tm) =	ssettm $0x1  }
0x9: {  	s18 =	sld [smem:$0x3FFB];
	_ =	sdelay $0x3  }
0xa: {  	_ =	strace s18  }
0xb: {  	s1 =	sld [smem:$0x3FFC];
	_ =	sdelay $0x3  }
0xc: {  	_ =	strace s1  }
0xd: {  	s1 =	sld [smem:$0x3FFD];
	_ =	sdelay $0x3  }
0xe: {  	_ =	strace s1  }
0xf: {  	_ =	strace $0x8FFFFFFF  }
0x10: {  	s19 =	sld [smem:$0x3FDB];
	_ =	sdelay $0x1  }
0x11: {  	s20 =	simm.s32 $_scs_section_size  }
0x12: {  	s4 =	simm.s32 $_size__tile_overlayer_lowered;
	s5 =	simm.s32 $_tile_overlayer_lowered  }
0x13: {  	s23 =	simm.s32 $0x1BFF;
	s22 =	sshll.u32 s5, $0x1;
	s1 =	sadd.s32 s20, s19  }
0x14: {  	s6 =	simm.s32 $0x0;
	s21 =	sshll.u32 s4, $0x1;
	s4 =	sadd.s32 s22, s1  }
0x15: {  	[timem:s6], [sflag:s23] =	dma.local [hbm:s4], s21  }
0x16: {  	_ =	swait.ge [sflag:s23], s21  }
0x17: {  	s2 =	ssub.s32 $0x0, s21;
	[sflag:s23] =	ssyncset.done $0x0  }
0x18: {  	[sflag:s23] =	ssyncadd.s32 s2;
	_ =	sdelay $0x1  }
0x19: {  	s24 =	simm.s32 $0x1B8B  }
0x1a: {  	_ =	swait.ge [sflag:s24], $0x1  }
0x1b: {  	[sflag:s24] =	ssyncset.done $0x0  }
0x1c: {  	s26 =	simm.s32 $0x1B8E;
	s25 =	sld [smem:$0x3FFE];
	[sflag:s24] =	ssyncadd.s32 $0xFFFFFFFF  }
0x1d: {  	s27 =	simm.s32 $execute0_lowered;
	[smem:$0x3FD2] =	sst s26  }
0x1e: {  	s4 =	sshll.u32 s27, $0x1;
	_ =	strace $0x80000049;
	[dreg:$0x1] =	wrdreg $0xFFFFFFFF  }
0x1f: {  	s28 =	simm.s32 $_size_execute0_lowered;
	s1 =	sadd.s32 s1, s4;
	[dreg:$0x0] =	wrdreg $0x0  }
0x20: {  	s4 =	sshll.u32 s28, $0x1;
	[dreg:$0x2] =	wrdreg s1  }
0x21: {  	[dreg:$0x3] =	wrdreg s4  }
0x22: {  	[dreg:$0x4] =	wrdreg $0xC0  }
0x23: {  	_ =	task [dreg:s6], $0x5FFFF  }
0x24: {  	[dreg:$0x1] =	wrdreg $0xFFFFFFFF  }
0x25: {  	[dreg:$0x0] =	wrdreg $0x60  }
0x26: {  	[dreg:$0x2] =	wrdreg s25  }
0x27: {  	[dreg:$0x3] =	wrdreg $0x9  }
0x28: {  	_ =	task.clear_ibuf [dreg:s6], $0x4FFFF;
	_ =	strace $0x90000049  }
0x29: {  	s29 =	simm.s32 $0x9;
	_ =	strace $0x8000004B  }
0x2a: {  	_ =	swait.ge [sflag:s29], $0x1  }
0x2b: {  	[sflag:s29] =	ssyncadd.s32 $0xFFFFFFFF  }
0x2c: {  	_ =	strace $0x9000004B  }
0x2d: {  	_ =	sfence  }
0x2e: {  	s30 =	sld [smem:$0x0];
	_ =	sdelay $0x2  }
0x2f: {  	s31 =	sshll.u32 s3, $0xD;
	s3 =	sshrl.u32 s3, $0x2  }
0x30: {  	s2 =	sand.u32 $0x4000, s31;
	s1 =	sadd.s32 s3, s30  }
0x31: {  	s0 =	sor.u32 s2, s0;
	s1 =	sshll.u32 s1, $0x11  }
0x32: {  	s0 =	sor.u32 s1, s0  }
0x33: {  	s0 =	sadd.s32 $0x8F2B, s0  }
0x34: {  	[sflag:s0] =	ssyncadd.remote.s32 $0x1  }
0x35: {  	_ =	sfence.sel $0xFFFF  }
0x36: {  	[dreg:$0x0] =	wrdreg $0xFFFFFFFF;
	(pc) =	sbr.abs _section_cstart, $3  }
0x37: {  	[dreg:$0x1] =	wrdreg $0xFFFFFFFF  }
0x38: {  	_ =	task.clear_ibuf [dreg:s6], $0x2FFFF;
	_ =	strace $0x9FFFFFFF  }
0x39: {  	(tm) =	ssettm $0x7FFFFFFF  }
tec
execute0_lowered:
.L_overlay_start_1:
0x0: {  	(tag) =	ssettag $0x1  }
0x1: {  	s0 =	srdreg.scid  }
0x2: {  	s1 =	sshll.u32 s0, $0x4  }
0x3: {  	s0 =	stileid.u32;
	s1 =	sand.u32 $0x10, s1  }
0x4: {  	s6 =	rddreg [dreg:$0x0];
	s4 =	simm.s32 $0x1;
	s1 =	sor.u32 s0, s1  }
0x5: {  	s7 =	simm.s32 $0x2;
	s13 =	simm.s32 $0x0;
	s2 =	sshll.u32 s1, $0x7  }
0x6: {  	s8 =	simm.s32 $0x800;
	s15 =	simm.s32 $0x0;
	s3 =	ssub.s32 $0x27100, s2  }
0x7: {  	s14 =	simm.s32 $0x0;
	s10 =	simm.s32 $0x0;
	s31 =	sand.u32 $0xF80, s3  }
0x8: {  	s11 =	simm.s32 $0x0;
	s1 =	rddreg [dreg:$0x1];
	p0 =	sne.s32 s31, $0x0  }
.Ltmp0:
0x9: {  	s5 =	sshrl.u32 s3, $0xC;
	s4 =	simm.s32 @!p0 $0x0;
	(pc) =	sbr.rel .LBB1_1-.Ltmp0, $4  }
0xa: {  	_ =	strace $0x8000004A;
	s3 =	simm.s32 $0x1;
	s4 =	sadd.s32 s4, s5  }
0xb: {  	s12 =	simm.s32 $0x0;
	[sflag:s3] =	ssyncpa.u1 $0x0;
	s4 =	smul.u32 $0xC, s4  }
0xc: {  	s9 =	smov.u32 s2;
	[sflag:s7] =	ssyncpa.u1 $0x0;
	p0 =	por $0x0, $0x0  }
0xd: {  	s5 =	sadd.s32 $0x754200, s6;
	s6 =	sadd.s32 $0x1118200, s6;
	s7 =	sor.u32 $0x1, s4  }
.LBB1_4:
0xe: {  	v5 =	vld [tilespmem:s18+$0xFFFFFFD0];
	[tilespmem:s19+$0x840 ss:$0x21] =	vst.msk $0xffff, v1  }
0xf: {  	v58 =	vld [tilespmem:s18+$0xFFFFFFE0];
	[tilespmem:s19+$0xA50 ss:$0x21] =	vst.msk $0xffff, v2  }
0x10: {  	s20 =	sshra.s32 s20, $0x2;
	v59 =	vld [tilespmem:s18+$0xFFFFFFF0];
	[tilespmem:s19+$0xC60 ss:$0x21] =	vst.msk $0xffff, v3  }
0x11: {  	v60 =	vld [tilespmem:s18+$0x0];
	[tilespmem:s19+$0x0 ss:$0x21] =	vst.msk $0xffff, v0;
	s17 =	sadd.s32 s20, s17  }
0x12: {  	v61 =	vld [tilespmem:s18+$0x10];
	[tilespmem:s17+$0xE70 ss:$0x21] =	vst.msk $0xffff, v4  }
0x13: {  	s15 =	sshll.u32 s15, $0x7;
	s27 =	sshll.u32 s14, $0x3;
	v62 =	vld [tilespmem:s18+$0x20];
	[tilespmem:s17+$0x210 ss:$0x21] =	vst.msk $0xffff, v5  }
0x14: {  	v63 =	vld [tilespmem:s18+$0xFFFFFFC0];
	s28 =	sand.u32 $0x400, s15;
	s19 =	sand.u32 $0x400, s27;
	[tilespmem:s17+$0x420 ss:$0x21] =	vst.msk $0xffff, v58  }
0x15: {  	s30 =	sshrl.u32 s14, $0x3;
	s15 =	sand.u32 $0x380, s15;
	s29 =	sadd.s32 s19, s28;
	[tilespmem:s17+$0x630 ss:$0x21] =	vst.msk $0xffff, v59  }
0x16: {  	s13 =	sshll.u32 s13, $0x8;
	s18 =	sand.u32 $0xF, s30;
	s15 =	sor.u32 s15, s29;
	[tilespmem:s17+$0x840 ss:$0x21] =	vst.msk $0xffff, v60  }
0x17: {  	s31 =	sand.u32 $0x7, s14;
	s18 =	sadd.s32 s6, s18;
	s15 =	sshrl.u32 s15, $0x3;
	[tilespmem:s17+$0xA50 ss:$0x21] =	vst.msk $0xffff, v61  }
0x18: {  	s14 =	sshll.u32 s31, $0x12;
	s13 =	sadd.s32 s13, s18;
	[tilespmem:s17+$0xC60 ss:$0x21] =	vst.msk $0xffff, v62;
	s15 =	sand.u32 $0xF0, s15  }
0x19: {  	s14 =	sor.u32 $0x20, s14;
	[tilespmem:s17+$0x0 ss:$0x21] =	vst.msk $0xffff, v63;
	s13 =	sadd.s32 s15, s13  }
0x1a: {  	[hbm4b:s13+s14] =	stream.strided.scatter [tilespmem:s16], [sflag:$0x2], $0x1000, s8, s14, $0x10;
	[tilespmem:$0x4100] =	vst v63  }
.LBB1_5:
0x1b: {  	s16 =	sadd.s32 $0x1000, s9  }
0x1c: {  	s13 =	simm.s32 $0x1;
	p2 =	sgt.s32 s16, $0x270FF  }
0x1d: {  	s13 =	simm.s32 @!p2 $0x0  }
0x1e: {  	s17 =	sadd.s32 s13, s10  }
0x1f: {  	s19 =	smov.u32 s11;
	s13 =	sadd.s32 $0x20, s11;
	p3 =	sgt.s32 s17, $0xB  }
0x20: {  	s19 =	smov.u32 @p3 s13  }
0x21: {  	p1 =	slt.u32 s12, $0x2;
	s16 =	smov.u32 @p2 s2;
	p2 =	sgt.s32 s19, $0x1F  }
0x22: {  	s18 =	simm.s32 @!p1 $0x2;
	s19 =	simm.s32 @p2 $0x0;
	p2 =	sne.s32 s12, s7  }
.Ltmp1:
0x23: {  	_ =	swait.ge @!p1 [sflag:s18], $0x1000;
	(pc) =	sbr.rel @!p2 .LBB1_6-.Ltmp1, $4  }
0x24: {  	s15 =	smov.u32 s10;
	[sflag:s18] =	ssyncset.done @!p1 $0x0  }
0x25: {  	s14 =	smov.u32 s11;
	p0 =	por !p0, !p0;
	[sflag:s18] =	ssyncadd.s32 @!p1 $0xFFFFF000  }
0x26: {  	s17 =	simm.s32 @p3 $0x0;
	s13 =	smov.u32 s9;
	s9 =	smov.u32 s16  }
0x27: {  	s10 =	smov.u32 s17;
	s12 =	sadd.s32 $0x1, s12;
	s11 =	smov.u32 s19  }
.LBB1_1:
0x28: {  	p1 =	sge.u32 s12, s4  }
0x29: {  	s16 =	sshrl.u32 @!p1 s10, $0x3  }
0x2a: {  	s17 =	sshll.u32 @!p1 s9, $0x3;
	s16 =	smul.u32 @!p1 $0x138800, s16  }
0x2b: {  	s18 =	sshll.u32 @!p1 s10, $0x7;
	s17 =	sand.u32 @!p1 $0xFFFFFC00, s17  }
0x2c: {  	s16 =	sadd.s32 @!p1 s16, s17;
	s17 =	sand.u32 @!p1 $0x380, s18  }
0x2d: {  	s18 =	sand.u32 @!p1 $0x7F, s9;
	s16 =	sor.u32 @!p1 s17, s16  }
0x2e: {  	s17 =	sor.u32 @!p1 s18, s16  }
0x2f: {  	s18 =	smulhi.u32 @!p1 $0xD1B71759, s17  }
0x30: {  	s16 =	smulhi.u32 @!p1 $0xD1B71759, s16  }
0x31: {  	s18 =	sshrl.u32 @!p1 s18, $0x11  }
0x32: {  	s31 =	sadd.s32 $0xFFFFFFFF, s12;
	s16 =	sshrl.u32 @!p1 s16, $0x11;
	s18 =	smul.u32 @!p1 $0x27100, s18  }
0x33: {  	s19 =	sxor.u32 @!p1 $0xFFFFFFFF, s12;
	s20 =	smul.u32 @!p1 $0x4E200, s11;
	s16 =	sand.u32 @!p1 $0xF, s16  }
0x34: {  	s19 =	sshll.u32 @!p1 s19, $0xC;
	s16 =	smul.u32 @!p1 $0x4E20, s16;
	s17 =	ssub.s32 @!p1 s17, s18  }
0x35: {  	s18 =	sand.u32 @!p1 $0x1000, s19;
	s19 =	sadd.s32 @!p1 s5, s20;
	s20 =	sand.u32 @!p1 $0x7, s17  }
0x36: {  	s17 =	sshrl.u32 @!p1 s17, $0x3;
	s16 =	sadd.s32 @!p1 s16, s19;
	s19 =	sshll.u32 @!p1 s20, $0x12  }
0x37: {  	s16 =	sadd.s32 @!p1 s17, s16;
	s17 =	sor.u32 @!p1 $0x80, s19;
	s19 =	simm.s32 @!p1 $0x271000  }
0x38: {  	[tilespmem:s18], [sflag:$0x1] =	stream.strided.gather @!p1 [hbm4b:s16+s17], $0x1000, s19, s17, $0x38;
	[tilespmem:$0x4100] =	vst v63  }
0x39: {  	p1 =	sge.u32 s31, s4  }
.Ltmp2:
0x3a: {  	_ = 	snop;
	(pc) =	sbr.rel @p1 .LBB1_5-.Ltmp2, $1  }
0x3b: {  	_ =	sdelay $0x3  }
0x3c: {  	s16 =	simm.s32 $0x1  }
0x3d: {  	_ =	swait.ge [sflag:s3], $0x1000;
	s16 =	simm.s32 @!p0 $0x0  }
0x3e: {  	[sflag:s3] =	ssyncset.done $0x0;
	s17 =	sshll.u32 s16, $0xC  }
0x3f: {  	[sflag:s3] =	ssyncadd.s32 $0xFFFFF000;
	s18 =	sor.u32 $0x40, s17  }
0x40: {  	s16 =	smul.u32 $0x4200, s16;
	v0 =	vld [tilespmem:s18+$0x30]  }
0x41: {  	v3 =	vld [tilespmem:s18+$0xFFFFFFD0]  }
0x42: {  	s16 =	sshrl.u32 s16, $0x2;
	v4 =	vld [tilespmem:s18+$0xFFFFFFE0]  }
0x43: {  	v5 =	vld [tilespmem:s18+$0xFFFFFFF0];
	s17 =	sor.u32 $0x2000, s16  }
0x44: {  	s31 =	sand.u32 $0x1, s12;
	v1 =	vld [tilespmem:s18+$0x0];
	s19 =	sadd.s32 $0x0, s17  }
0x45: {  	v2 =	vld [tilespmem:s18+$0x10];
	s16 =	smul.u32 $0x4200, s31;
	[tilespmem:s19+$0xE70 ss:$0x21] =	vst.msk $0xffff, v0  }
0x46: {  	[tilespmem:s19+$0x210 ss:$0x21] =	vst.msk $0xffff, v3;
	v3 =	vld [tilespmem:s18+$0x20]  }
0x47: {  	s16 =	sshrl.u32 s16, $0x2;
	v0 =	vld [tilespmem:s18+$0xFFFFFFC0];
	[tilespmem:s19+$0x420 ss:$0x21] =	vst.msk $0xffff, v4;
	s18 =	sadd.s32 $0x80, s18  }
0x48: {  	s20 =	simm.s32 $0x4;
	s21 =	simm.s32 $0x8;
	s16 =	sor.u32 $0x2000, s16;
	[tilespmem:s19+$0x630 ss:$0x21] =	vst.msk $0xffff, v5;
	v4 =	vld [tilespmem:s18+$0x30]  }
.LBB1_3:
0x49: {  	p1 =	sne.s32 s21, $0x7C;
	v5 =	vld [tilespmem:s18+$0xFFFFFFD0];
	[tilespmem:s19+$0x840 ss:$0x21] =	vst.msk $0xffff, v1  }
0x4a: {  	v6 =	vld [tilespmem:s18+$0xFFFFFFE0];
	[tilespmem:s19+$0xA50 ss:$0x21] =	vst.msk $0xffff, v2  }
0x4b: {  	s22 =	sshra.s32 s20, $0x2;
	s20 =	smov.u32 s21;
	v7 =	vld [tilespmem:s18+$0xFFFFFFF0];
	[tilespmem:s19+$0xC60 ss:$0x21] =	vst.msk $0xffff, v3  }
.Ltmp3:
0x4c: {  	v1 =	vld [tilespmem:s18+$0x0];
	[tilespmem:s19+$0x0 ss:$0x21] =	vst.msk $0xffff, v0;
	s19 =	sadd.s32 s22, s17;
	(pc) =	sbr.rel @p1 .LBB1_3-.Ltmp3, $4  }
0x4d: {  	v2 =	vld [tilespmem:s18+$0x10];
	[tilespmem:s19+$0xE70 ss:$0x21] =	vst.msk $0xffff, v4  }
0x4e: {  	[tilespmem:s19+$0x210 ss:$0x21] =	vst.msk $0xffff, v5;
	v3 =	vld [tilespmem:s18+$0x20]  }
0x4f: {  	v0 =	vld [tilespmem:s18+$0xFFFFFFC0];
	[tilespmem:s19+$0x420 ss:$0x21] =	vst.msk $0xffff, v6;
	s18 =	sadd.s32 $0x80, s18  }
0x50: {  	s21 =	sadd.s32 $0x4, s21;
	v4 =	vld [tilespmem:s18+$0x30];
	[tilespmem:s19+$0x630 ss:$0x21] =	vst.msk $0xffff, v7  }
.Ltmp4:
0x51: {  	_ = 	snop;
	(pc) =	sbr.rel .LBB1_4-.Ltmp4, $1  }
0x52: {  	_ =	sdelay $0x3  }
.LBB1_6:
0x53: {  	_ =	sfence.sel $0x180000  }
0x54: {  	s2 =	simm.s32 $0x1;
	[bflag:$0x0] =	sbarrier.arrive $0xFFFF  }
0x55: {  	s31 =	simm.s32 $0x2;
	[sflag:s2] =	ssyncpa.u1 $0x1  }
0x56: {  	[sflag:s31] =	ssyncpa.u1 $0x1  }
0x57: {  	p0 =	sne.s32 s0, $0x0;
	_ =	strace $0x9000004A  }
0x58: {  	s0 =	sadd.s32 @!p0 $0x100000, s1;
	[bflag:$0x2] =	sbarrier.arrive $0xFFFF  }
0x59: {  	[sflag:s0] =	ssyncadd.tile.s32 @!p0 $0x1;
	_ =	shalt  }
.Lfunc_end1:
_tile_overlayer_lowered:
.L_overlay_start_2:
0x5a: {  	(tag) =	ssettag $0x2  }
0x5b: {  	s0 =	rddreg [dreg:$0x0];
	s2 =	stileid.u32  }
0x5c: {  	s1 =	rddreg [dreg:$0x1];
	p0 =	sne.s32 s2, $0x0  }
0x5d: {  	s3 =	rddreg [dreg:$0x2];
	[bflag:$0x3] =	sbarrier.arrive $0xFFFF;
	s2 =	simm.s32 @!p0 $0x1C01  }
0x5e: {  	[timem:s3], [sflag:s2] =	dma.local @!p0 [hbm:s0], s1  }
0x5f: {  	s0 =	simm.s32 @!p0 $0x1  }
0x60: {  	_ =	swait.ge @!p0 [sflag:s0], s1  }
0x61: {  	s1 =	ssub.s32 @!p0 $0x0, s1;
	[sflag:s0] =	ssyncset.done @!p0 $0x0  }
0x62: {  	[sflag:s0] =	ssyncadd.s32 @!p0 s1  }
0x63: {  	[bflag:$0x3] =	sbarrier.arrive $0xFFFF  }
0x64: {  	_ =	shalt  }

// kernel: sparse-core-data-format-call.3.cloned.1.call-start
scs
called_computation.3_lowered:
.L_overlay_start_0:
0x0: {  	s2 =	sld [smem:$0x3FD9]  }
0x1: {  	s3 =	sld [smem:$0x3FFE];
	_ =	sdelay $0x1  }
0x2: {  	s1 =	srdreg.scid  }
0x3: {  	s0 =	sand.u32 $0x1, s1  }
0x4: {  	s18 =	sshll.u32 s0, $0xA;
	s2 =	sadd.s32 s3, s2  }
0x5: {  	s2 =	sadd.s32 s2, s18  }
0x6: {  	[smem:$0x3FC5] =	sst s2  }
0x7: {  	_ = 	snop  }
0x8: {  	s2 =	sld [smem:$0x3FC8];
	(tm) =	ssettm $0x1  }
0x9: {  	s19 =	sld [smem:$0x3FFB];
	_ =	sdelay $0x3  }
0xa: {  	_ =	strace s19  }
0xb: {  	s3 =	sld [smem:$0x3FFC];
	_ =	sdelay $0x3  }
0xc: {  	_ =	strace s3  }
0xd: {  	s3 =	sld [smem:$0x3FFD];
	_ =	sdelay $0x3  }
0xe: {  	_ =	strace s3  }
0xf: {  	_ =	strace $0x8FFFFFFF  }
0x10: {  	s20 =	sld [smem:$0x3FDB];
	_ =	sdelay $0x1  }
0x11: {  	s4 =	simm.s32 $_scs_section_size  }
0x12: {  	s5 =	simm.s32 $_size__tile_overlayer_lowered;
	s6 =	simm.s32 $_tile_overlayer_lowered  }
0x13: {  	s23 =	simm.s32 $0x1BFF;
	s22 =	sshll.u32 s6, $0x1;
	s3 =	sadd.s32 s4, s20  }
0x14: {  	s7 =	simm.s32 $0x0;
	s21 =	sshll.u32 s5, $0x1;
	s5 =	sadd.s32 s22, s3  }
0x15: {  	[timem:s7], [sflag:s23] =	dma.local [hbm:s5], s21  }
0x16: {  	_ =	swait.ge [sflag:s23], s21  }
0x17: {  	s4 =	ssub.s32 $0x0, s21;
	[sflag:s23] =	ssyncset.done $0x0  }
0x18: {  	[sflag:s23] =	ssyncadd.s32 s4;
	_ =	sdelay $0x1  }
0x19: {  	s24 =	simm.s32 $0x1B8B  }
0x1a: {  	_ =	swait.ge [sflag:s24], $0x1  }
0x1b: {  	[sflag:s24] =	ssyncset.done $0x0  }
0x1c: {  	s26 =	simm.s32 $0x1B8E;
	s25 =	sld [smem:$0x3FFE];
	[sflag:s24] =	ssyncadd.s32 $0xFFFFFFFF  }
0x1d: {  	s27 =	simm.s32 $execute0_lowered;
	[smem:$0x3FD2] =	sst s26  }
0x1e: {  	s5 =	sshll.u32 s27, $0x1;
	_ =	strace $0x80000046;
	[dreg:$0x1] =	wrdreg $0xFFFFFFFF  }
0x1f: {  	s28 =	simm.s32 $_size_execute0_lowered;
	s3 =	sadd.s32 s3, s5;
	[dreg:$0x0] =	wrdreg $0x0  }
0x20: {  	s5 =	sshll.u32 s28, $0x1;
	[dreg:$0x2] =	wrdreg s3  }
0x21: {  	[dreg:$0x3] =	wrdreg s5  }
0x22: {  	[dreg:$0x4] =	wrdreg $0xC0  }
0x23: {  	_ =	task [dreg:s7], $0x5FFFF  }
0x24: {  	[dreg:$0x1] =	wrdreg $0xFFFFFFFF  }
0x25: {  	[dreg:$0x0] =	wrdreg $0x60  }
0x26: {  	[dreg:$0x2] =	wrdreg s2  }
0x27: {  	[dreg:$0x3] =	wrdreg s25  }
0x28: {  	[dreg:$0x4] =	wrdreg $0x9  }
0x29: {  	_ =	task.clear_ibuf [dreg:s7], $0x5FFFF;
	_ =	strace $0x90000046  }
0x2a: {  	s29 =	simm.s32 $0x9;
	_ =	strace $0x80000048  }
0x2b: {  	_ =	swait.ge [sflag:s29], $0x1  }
0x2c: {  	[sflag:s29] =	ssyncadd.s32 $0xFFFFFFFF  }
0x2d: {  	_ =	strace $0x90000048  }
0x2e: {  	_ =	sfence  }
0x2f: {  	s30 =	sld [smem:$0x0];
	_ =	sdelay $0x2  }
0x30: {  	s31 =	sshll.u32 s1, $0xD;
	s1 =	sshrl.u32 s1, $0x2  }
0x31: {  	s3 =	sand.u32 $0x4000, s31;
	s1 =	sadd.s32 s1, s30  }
0x32: {  	s0 =	sor.u32 s3, s0;
	s1 =	sshll.u32 s1, $0x11  }
0x33: {  	s0 =	sor.u32 s1, s0  }
0x34: {  	s0 =	sadd.s32 $0x8F2B, s0  }
0x35: {  	[sflag:s0] =	ssyncadd.remote.s32 $0x1  }
0x36: {  	_ =	sfence.sel $0xFFFF  }
0x37: {  	[dreg:$0x0] =	wrdreg $0xFFFFFFFF;
	(pc) =	sbr.abs _section_cstart, $3  }
0x38: {  	[dreg:$0x1] =	wrdreg $0xFFFFFFFF  }
0x39: {  	_ =	task.clear_ibuf [dreg:s7], $0x2FFFF;
	_ =	strace $0x9FFFFFFF  }
0x3a: {  	(tm) =	ssettm $0x7FFFFFFF  }
0x3b: {  	_ =	shalt  }
tec
execute0_lowered:
.L_overlay_start_1:
0x0: {  	(tag) =	ssettag $0x1  }
0x1: {  	s0 =	srdreg.scid  }
0x2: {  	s1 =	sshll.u32 s0, $0x4  }
0x3: {  	s0 =	stileid.u32;
	s1 =	sand.u32 $0x10, s1  }
0x4: {  	s3 =	rddreg [dreg:$0x0];
	s1 =	sor.u32 s0, s1  }
0x5: {  	s6 =	rddreg [dreg:$0x1];
	s2 =	sshll.u32 s1, $0x7  }
0x6: {  	s7 =	simm.s32 $0x2;
	s13 =	simm.s32 $0x0;
	s1 =	ssub.s32 $0x27100, s2  }
0x7: {  	s8 =	simm.s32 $0x138800;
	s12 =	simm.s32 $0x0;
	s4 =	sand.u32 $0xF80, s1  }
0x8: {  	s10 =	simm.s32 $0x0;
	p0 =	sne.s32 s4, $0x0;
	s4 =	simm.s32 $0x1  }
.Ltmp0:
0x9: {  	s5 =	sshrl.u32 s1, $0xC;
	s4 =	simm.s32 @!p0 $0x0;
	(pc) =	sbr.rel .LBB1_1-.Ltmp0, $4  }
0xa: {  	s11 =	simm.s32 $0x0;
	s1 =	rddreg [dreg:$0x2];
	s5 =	sadd.s32 s4, s5  }
0xb: {  	_ =	strace $0x80000047;
	s4 =	simm.s32 $0x1;
	s5 =	smul.u32 $0x3, s5  }
0xc: {  	s6 =	sadd.s32 $0x1200, s6;
	s9 =	smov.u32 s2;
	[sflag:s4] =	ssyncpa.u1 $0x0  }
0xd: {  	p0 =	por $0x0, $0x0;
	[sflag:s7] =	ssyncpa.u1 $0x0;
	s7 =	sadd.s32 $0x1, s5  }
.LBB1_4:
0xe: {  	v5 =	vld [tilespmem:s17+$0xFFFFFFD0];
	[tilespmem:s16+$0x2040 ss:$0x81] =	vst.msk $0xffff, v3;
	s19 =	sshll.u32 s13, $0x3  }
0xf: {  	v58 =	vld [tilespmem:s17+$0xFFFFFFE0];
	[tilespmem:s16+$0x2850 ss:$0x81] =	vst.msk $0xffff, v4;
	s24 =	sand.u32 $0x7F, s13;
	s19 =	sand.u32 $0xFFFFFC00, s19  }
0x10: {  	s18 =	sshra.s32 s18, $0x2;
	v59 =	vld [tilespmem:s17+$0xFFFFFFF0];
	[tilespmem:s16+$0x3060 ss:$0x81] =	vst.msk $0xffff, v2;
	s13 =	sor.u32 s24, s19  }
0x11: {  	v60 =	vld [tilespmem:s17+$0x0];
	[tilespmem:s16+$0x0 ss:$0x81] =	vst.msk $0xffff, v0;
	s15 =	sadd.s32 s18, s15;
	s25 =	smulhi.u32 $0xD1B71759, s13  }
0x12: {  	v61 =	vld [tilespmem:s17+$0x10];
	[tilespmem:s15+$0x3870 ss:$0x81] =	vst.msk $0xffff, v1;
	s26 =	smulhi.u32 $0xD1B71759, s19  }
0x13: {  	v62 =	vld [tilespmem:s17+$0x20];
	[tilespmem:s15+$0x810 ss:$0x81] =	vst.msk $0xffff, v5;
	s16 =	sshrl.u32 s25, $0x11  }
0x14: {  	v63 =	vld [tilespmem:s17+$0xFFFFFFC0];
	s27 =	sshrl.u32 s26, $0x11;
	[tilespmem:s15+$0x1020 ss:$0x81] =	vst.msk $0xffff, v58;
	s16 =	smul.u32 $0x27100, s16  }
0x15: {  	s12 =	smul.u32 $0x271000, s12;
	[tilespmem:s15+$0x1830 ss:$0x81] =	vst.msk $0xffff, v59;
	s17 =	sand.u32 $0x7F, s27  }
0x16: {  	[tilespmem:s15+$0x2040 ss:$0x81] =	vst.msk $0xffff, v60;
	s28 =	smul.u32 $0x4E20, s17;
	s13 =	ssub.s32 s13, s16  }
0x17: {  	s12 =	sadd.s32 s6, s12;
	[tilespmem:s15+$0x2850 ss:$0x81] =	vst.msk $0xffff, v61;
	s29 =	sand.u32 $0x7, s13  }
0x18: {  	[tilespmem:s15+$0x3060 ss:$0x81] =	vst.msk $0xffff, v62;
	s12 =	sadd.s32 s28, s12;
	s13 =	sshrl.u32 s13, $0x3;
	s30 =	sshll.u32 s29, $0x12  }
0x19: {  	[tilespmem:s15+$0x0 ss:$0x81] =	vst.msk $0xffff, v63;
	s12 =	sadd.s32 s13, s12;
	s31 =	sor.u32 $0x400, s30  }
0x1a: {  	[hbm4b:s12+s31] =	stream.strided.scatter [tilespmem:s14], [sflag:$0x2], $0x4000, s8, s31, $0x20;
	[tilespmem:$0x10100] =	vst v63  }
.LBB1_5:
0x1b: {  	s14 =	sadd.s32 $0x1000, s9  }
0x1c: {  	s12 =	simm.s32 $0x1;
	p2 =	sgt.s32 s14, $0x270FF  }
0x1d: {  	s12 =	simm.s32 @!p2 $0x0  }
0x1e: {  	s16 =	sadd.s32 s12, s10  }
0x1f: {  	s14 =	smov.u32 @p2 s2;
	p2 =	sgt.s32 s16, $0x2  }
0x20: {  	s16 =	simm.s32 @p2 $0x0;
	p2 =	sne.s32 s11, s7  }
.Ltmp1:
0x21: {  	p1 =	slt.u32 s11, $0x2;
	(pc) =	sbr.rel @!p2 .LBB1_6-.Ltmp1, $4  }
0x22: {  	s15 =	simm.s32 @!p1 $0x2  }
0x23: {  	s13 =	smov.u32 s9;
	p0 =	por !p0, !p0;
	_ =	swait.ge @!p1 [sflag:s15], $0x4000  }
0x24: {  	[sflag:s15] =	ssyncset.done @!p1 $0x0;
	s12 =	smov.u32 s10;
	s9 =	smov.u32 s14  }
0x25: {  	[sflag:s15] =	ssyncadd.s32 @!p1 $0xFFFFC000;
	s11 =	sadd.s32 $0x1, s11;
	s10 =	smov.u32 s16  }
.LBB1_1:
0x26: {  	p1 =	sge.u32 s11, s5  }
0x27: {  	s14 =	sand.u32 @!p1 $0x1FFFFFF, s9  }
0x28: {  	s15 =	smulhi.u32 @!p1 $0x1A36E2F, s14;
	_ =	sdelay $0x1  }
0x29: {  	s15 =	sshrl.u32 @!p1 s15, $0xA  }
0x2a: {  	s15 =	smul.u32 @!p1 $0x27100, s15  }
0x2b: {  	s16 =	smul.u32 @!p1 $0x271000, s10  }
0x2c: {  	s31 =	sadd.s32 $0xFFFFFFFF, s11;
	s14 =	ssub.s32 @!p1 s14, s15;
	s15 =	sxor.u32 @!p1 $0xFFFFFFFF, s11  }
0x2d: {  	s16 =	sadd.s32 @!p1 s3, s16;
	s15 =	sshll.u32 @!p1 s15, $0xE;
	s14 =	sshll.u32 @!p1 s14, $0x4  }
0x2e: {  	s15 =	sand.u32 @!p1 $0x4000, s15;
	s14 =	sadd.s32 @!p1 s14, s16;
	s16 =	simm.s32 @!p1 $0x0  }
0x2f: {  	[tilespmem:s15], [sflag:$0x1] =	stream.linear.gather @!p1 [hbm4b:s14+s16], $0x4000, $0x38;
	[tilespmem:$0x10100] =	vst v63  }
0x30: {  	p1 =	sge.u32 s31, s5  }
.Ltmp2:
0x31: {  	_ = 	snop;
	(pc) =	sbr.rel @p1 .LBB1_5-.Ltmp2, $1  }
0x32: {  	_ =	sdelay $0x3  }
0x33: {  	s14 =	simm.s32 $0x1  }
0x34: {  	_ =	swait.ge [sflag:s4], $0x4000;
	s14 =	simm.s32 @!p0 $0x0  }
0x35: {  	[sflag:s4] =	ssyncset.done $0x0;
	s15 =	sshll.u32 s14, $0xE  }
0x36: {  	[sflag:s4] =	ssyncadd.s32 $0xFFFFC000;
	s17 =	sor.u32 $0x40, s15  }
0x37: {  	s14 =	smul.u32 $0x10200, s14;
	v0 =	vld [tilespmem:s17+$0x30]  }
0x38: {  	v1 =	vld [tilespmem:s17+$0xFFFFFFD0]  }
0x39: {  	s14 =	sshrl.u32 s14, $0x2;
	v5 =	vld [tilespmem:s17+$0xFFFFFFE0]  }
0x3a: {  	v6 =	vld [tilespmem:s17+$0xFFFFFFF0];
	s15 =	sor.u32 $0x8000, s14  }
0x3b: {  	s31 =	sand.u32 $0x1, s11;
	v3 =	vld [tilespmem:s17+$0x0];
	s16 =	sadd.s32 $0x0, s15  }
0x3c: {  	v4 =	vld [tilespmem:s17+$0x10];
	s14 =	smul.u32 $0x10200, s31;
	[tilespmem:s16+$0x3870 ss:$0x81] =	vst.msk $0xffff, v0  }
0x3d: {  	v2 =	vld [tilespmem:s17+$0x20];
	[tilespmem:s16+$0x810 ss:$0x81] =	vst.msk $0xffff, v1  }
0x3e: {  	s14 =	sshrl.u32 s14, $0x2;
	v0 =	vld [tilespmem:s17+$0xFFFFFFC0];
	[tilespmem:s16+$0x1020 ss:$0x81] =	vst.msk $0xffff, v5;
	s17 =	sadd.s32 $0x80, s17  }
0x3f: {  	s18 =	simm.s32 $0x4;
	s19 =	simm.s32 $0x8;
	s14 =	sor.u32 $0x8000, s14;
	[tilespmem:s16+$0x1830 ss:$0x81] =	vst.msk $0xffff, v6;
	v1 =	vld [tilespmem:s17+$0x30]  }
.LBB1_3:
0x40: {  	p1 =	sne.s32 s19, $0x1FC;
	v5 =	vld [tilespmem:s17+$0xFFFFFFD0];
	[tilespmem:s16+$0x2040 ss:$0x81] =	vst.msk $0xffff, v3  }
0x41: {  	v6 =	vld [tilespmem:s17+$0xFFFFFFE0];
	[tilespmem:s16+$0x2850 ss:$0x81] =	vst.msk $0xffff, v4  }
0x42: {  	s20 =	sshra.s32 s18, $0x2;
	s18 =	smov.u32 s19;
	v7 =	vld [tilespmem:s17+$0xFFFFFFF0];
	[tilespmem:s16+$0x3060 ss:$0x81] =	vst.msk $0xffff, v2  }
.Ltmp3:
0x43: {  	v3 =	vld [tilespmem:s17+$0x0];
	[tilespmem:s16+$0x0 ss:$0x81] =	vst.msk $0xffff, v0;
	s16 =	sadd.s32 s20, s15;
	(pc) =	sbr.rel @p1 .LBB1_3-.Ltmp3, $4  }
0x44: {  	v4 =	vld [tilespmem:s17+$0x10];
	[tilespmem:s16+$0x3870 ss:$0x81] =	vst.msk $0xffff, v1  }
0x45: {  	[tilespmem:s16+$0x810 ss:$0x81] =	vst.msk $0xffff, v5;
	v2 =	vld [tilespmem:s17+$0x20]  }
0x46: {  	v0 =	vld [tilespmem:s17+$0xFFFFFFC0];
	[tilespmem:s16+$0x1020 ss:$0x81] =	vst.msk $0xffff, v6;
	s17 =	sadd.s32 $0x80, s17  }
0x47: {  	s19 =	sadd.s32 $0x4, s19;
	v1 =	vld [tilespmem:s17+$0x30];
	[tilespmem:s16+$0x1830 ss:$0x81] =	vst.msk $0xffff, v7  }
.Ltmp4:
0x48: {  	_ = 	snop;
	(pc) =	sbr.rel .LBB1_4-.Ltmp4, $1  }
0x49: {  	_ =	sdelay $0x3  }
.LBB1_6:
0x4a: {  	_ =	sfence.sel $0x180000  }
0x4b: {  	s2 =	simm.s32 $0x1;
	[bflag:$0x0] =	sbarrier.arrive $0xFFFF  }
0x4c: {  	s31 =	simm.s32 $0x2;
	[sflag:s2] =	ssyncpa.u1 $0x1  }
0x4d: {  	[sflag:s31] =	ssyncpa.u1 $0x1  }
0x4e: {  	p0 =	sne.s32 s0, $0x0;
	_ =	strace $0x90000047  }
0x4f: {  	s0 =	sadd.s32 @!p0 $0x100000, s1;
	[bflag:$0x2] =	sbarrier.arrive $0xFFFF  }
0x50: {  	[sflag:s0] =	ssyncadd.tile.s32 @!p0 $0x1;
	_ =	shalt  }
.Lfunc_end1:
_tile_overlayer_lowered:
.L_overlay_start_2:
0x51: {  	(tag) =	ssettag $0x2  }
0x52: {  	s0 =	rddreg [dreg:$0x0];
	s2 =	stileid.u32  }
0x53: {  	s1 =	rddreg [dreg:$0x1];
	p0 =	sne.s32 s2, $0x0  }
0x54: {  	s3 =	rddreg [dreg:$0x2];
	[bflag:$0x3] =	sbarrier.arrive $0xFFFF;
	s2 =	simm.s32 @!p0 $0x1C01  }
0x55: {  	[timem:s3], [sflag:s2] =	dma.local @!p0 [hbm:s0], s1  }
0x56: {  	s0 =	simm.s32 @!p0 $0x1  }
0x57: {  	_ =	swait.ge @!p0 [sflag:s0], s1  }
0x58: {  	s1 =	ssub.s32 @!p0 $0x0, s1;
	[sflag:s0] =	ssyncset.done @!p0 $0x0  }
0x59: {  	[sflag:s0] =	ssyncadd.s32 @!p0 s1  }
0x5a: {  	[bflag:$0x3] =	sbarrier.arrive $0xFFFF  }
0x5b: {  	_ =	shalt  }

// kernel: sparse-core-data-format-call.cloned.1.call-start
scs
called_computation_lowered:
.L_overlay_start_0:
0x0: {  	s1 =	sld [smem:$0x3FD9]  }
0x1: {  	s2 =	sld [smem:$0x3FFE];
	_ =	sdelay $0x1  }
0x2: {  	s3 =	srdreg.scid  }
0x3: {  	s0 =	sand.u32 $0x1, s3  }
0x4: {  	s17 =	sshll.u32 s0, $0xA;
	s1 =	sadd.s32 s2, s1  }
0x5: {  	s1 =	sadd.s32 s1, s17  }
0x6: {  	[smem:$0x3FC5] =	sst s1  }
0x7: {  	_ = 	snop  }
0x8: {  	(tm) =	ssettm $0x1  }
0x9: {  	s18 =	sld [smem:$0x3FFB];
	_ =	sdelay $0x3  }
0xa: {  	_ =	strace s18  }
0xb: {  	s1 =	sld [smem:$0x3FFC];
	_ =	sdelay $0x3  }
0xc: {  	_ =	strace s1  }
0xd: {  	s1 =	sld [smem:$0x3FFD];
	_ =	sdelay $0x3  }
0xe: {  	_ =	strace s1  }
0xf: {  	_ =	strace $0x8FFFFFFF  }
0x10: {  	s19 =	sld [smem:$0x3FDB];
	_ =	sdelay $0x1  }
0x11: {  	s20 =	simm.s32 $_scs_section_size  }
0x12: {  	s4 =	simm.s32 $_size__tile_overlayer_lowered;
	s5 =	simm.s32 $_tile_overlayer_lowered  }
0x13: {  	s23 =	simm.s32 $0x1BFF;
	s22 =	sshll.u32 s5, $0x1;
	s1 =	sadd.s32 s20, s19  }
0x14: {  	s6 =	simm.s32 $0x0;
	s21 =	sshll.u32 s4, $0x1;
	s4 =	sadd.s32 s22, s1  }
0x15: {  	[timem:s6], [sflag:s23] =	dma.local [hbm:s4], s21  }
0x16: {  	_ =	swait.ge [sflag:s23], s21  }
0x17: {  	s2 =	ssub.s32 $0x0, s21;
	[sflag:s23] =	ssyncset.done $0x0  }
0x18: {  	[sflag:s23] =	ssyncadd.s32 s2;
	_ =	sdelay $0x1  }
0x19: {  	s24 =	simm.s32 $0x1B8B  }
0x1a: {  	_ =	swait.ge [sflag:s24], $0x1  }
0x1b: {  	[sflag:s24] =	ssyncset.done $0x0  }
0x1c: {  	s26 =	simm.s32 $0x1B8E;
	s25 =	sld [smem:$0x3FFE];
	[sflag:s24] =	ssyncadd.s32 $0xFFFFFFFF  }
0x1d: {  	s27 =	simm.s32 $execute0_lowered;
	[smem:$0x3FD2] =	sst s26  }
0x1e: {  	s4 =	sshll.u32 s27, $0x1;
	_ =	strace $0x8000004F;
	[dreg:$0x1] =	wrdreg $0xFFFFFFFF  }
0x1f: {  	s28 =	simm.s32 $_size_execute0_lowered;
	s1 =	sadd.s32 s1, s4;
	[dreg:$0x0] =	wrdreg $0x0  }
0x20: {  	s4 =	sshll.u32 s28, $0x1;
	[dreg:$0x2] =	wrdreg s1  }
0x21: {  	[dreg:$0x3] =	wrdreg s4  }
0x22: {  	[dreg:$0x4] =	wrdreg $0xC0  }
0x23: {  	_ =	task [dreg:s6], $0x5FFFF  }
0x24: {  	[dreg:$0x1] =	wrdreg $0xFFFFFFFF  }
0x25: {  	[dreg:$0x0] =	wrdreg $0x60  }
0x26: {  	[dreg:$0x2] =	wrdreg s25  }
0x27: {  	[dreg:$0x3] =	wrdreg $0x9  }
0x28: {  	_ =	task.clear_ibuf [dreg:s6], $0x4FFFF;
	_ =	strace $0x9000004F  }
0x29: {  	s29 =	simm.s32 $0x9;
	_ =	strace $0x80000051  }
0x2a: {  	_ =	swait.ge [sflag:s29], $0x1  }
0x2b: {  	[sflag:s29] =	ssyncadd.s32 $0xFFFFFFFF  }
0x2c: {  	_ =	strace $0x90000051  }
0x2d: {  	_ =	sfence  }
0x2e: {  	s30 =	sld [smem:$0x0];
	_ =	sdelay $0x2  }
0x2f: {  	s31 =	sshll.u32 s3, $0xD;
	s3 =	sshrl.u32 s3, $0x2  }
0x30: {  	s2 =	sand.u32 $0x4000, s31;
	s1 =	sadd.s32 s3, s30  }
0x31: {  	s0 =	sor.u32 s2, s0;
	s1 =	sshll.u32 s1, $0x11  }
0x32: {  	s0 =	sor.u32 s1, s0  }
0x33: {  	s0 =	sadd.s32 $0x8F2B, s0  }
0x34: {  	[sflag:s0] =	ssyncadd.remote.s32 $0x1  }
0x35: {  	_ =	sfence.sel $0xFFFF  }
0x36: {  	[dreg:$0x0] =	wrdreg $0xFFFFFFFF;
	(pc) =	sbr.abs _section_cstart, $3  }
0x37: {  	[dreg:$0x1] =	wrdreg $0xFFFFFFFF  }
0x38: {  	_ =	task.clear_ibuf [dreg:s6], $0x2FFFF;
	_ =	strace $0x9FFFFFFF  }
0x39: {  	(tm) =	ssettm $0x7FFFFFFF  }
tec
execute0_lowered:
.L_overlay_start_1:
0x0: {  	(tag) =	ssettag $0x1  }
0x1: {  	s0 =	stileid.u32  }
0x2: {  	s1 =	srdreg.scid;
	s7 =	rddreg [dreg:$0x0];
	s31 =	simm.s32 $0x2  }
0x3: {  	s15 =	simm.s32 $0x0;
	s9 =	simm.s32 $0x400;
	s10 =	simm.s32 $0x1D4C00  }
0x4: {  	s11 =	simm.s32 $0x0;
	s2 =	sshll.u32 s0, $0x2;
	s1 =	sshll.u32 s1, $0x6  }
0x5: {  	s16 =	simm.s32 $0x0;
	s3 =	sshll.u32 s0, $0x1;
	s2 =	sor.u32 s2, s1  }
0x6: {  	s14 =	simm.s32 $0x0;
	s1 =	sand.u32 $0x2, s3;
	s2 =	sand.u32 $0x78, s2  }
0x7: {  	s3 =	ssub.s32 $0x4, s1;
	s13 =	smov.u32 s1;
	s4 =	ssub.s32 $0x3A98, s2  }
0x8: {  	s5 =	sshrl.u32 s3, $0x2;
	s3 =	sshrl.u32 s3, $0x1;
	s6 =	sand.u32 $0x78, s4  }
0x9: {  	s8 =	sand.u32 $0x1, s3;
	p0 =	sne.s32 s6, $0x0;
	s6 =	simm.s32 $0x1  }
.Ltmp0:
0xa: {  	s4 =	sshrl.u32 s4, $0x7;
	s6 =	simm.s32 @!p0 $0x0;
	(pc) =	sbr.rel .LBB1_1-.Ltmp0, $4  }
0xb: {  	s3 =	rddreg [dreg:$0x1];
	s5 =	sadd.s32 s5, s8;
	s6 =	sadd.s32 s6, s4  }
0xc: {  	_ =	strace $0x80000050;
	s4 =	simm.s32 $0x1;
	s5 =	smul.u32 s5, s6  }
0xd: {  	s12 =	smov.u32 s2;
	s6 =	sadd.s32 $0x1200, s7;
	[sflag:s4] =	ssyncpa.u1 $0x0  }
0xe: {  	s7 =	sadd.s32 $0x754200, s7;
	[sflag:s31] =	ssyncpa.u1 $0x0;
	s8 =	sadd.s32 $0x1, s5  }
.LBB1_9:
0xf: {  	s17 =	sadd.s32 $0x80, s12  }
0x10: {  	s15 =	sadd.s32 $0x4, s13;
	s19 =	smov.u32 s13;
	p1 =	sgt.s32 s17, $0x3A97  }
0x11: {  	s19 =	smov.u32 @p1 s15  }
0x12: {  	s17 =	smov.u32 @p1 s2;
	p1 =	sgt.s32 s19, $0x3  }
0x13: {  	s19 =	smov.u32 @p1 s1;
	p1 =	sne.s32 s14, s8  }
.Ltmp1:
0x14: {  	p0 =	slt.u32 s14, $0x2;
	(pc) =	sbr.rel @!p1 .LBB1_10-.Ltmp1, $4  }
0x15: {  	s18 =	simm.s32 @!p0 $0x2  }
0x16: {  	s16 =	smov.u32 s13;
	s11 =	sadd.s32 $0x4000, s11;
	_ =	swait.ge @!p0 [sflag:s18], $0x4000  }
0x17: {  	s15 =	smov.u32 s12;
	[sflag:s18] =	ssyncset.done @!p0 $0x0;
	s12 =	smov.u32 s17  }
0x18: {  	s14 =	sadd.s32 $0x1, s14;
	[sflag:s18] =	ssyncadd.s32 @!p0 $0xFFFFC000;
	s13 =	smov.u32 s19  }
.LBB1_1:
0x19: {  	p0 =	sge.u32 s14, s5  }
0x1a: {  	s18 =	smul.u32 @!p0 $0x1D4C00, s13  }
0x1b: {  	s31 =	sadd.s32 $0xFFFFFFFF, s14;
	s17 =	sxor.u32 @!p0 $0xFFFFFFFF, s14;
	s19 =	sshll.u32 @!p0 s12, $0x7  }
0x1c: {  	s20 =	simm.s32 @!p0 $0xEA6000;
	s17 =	sshll.u32 @!p0 s17, $0xE;
	s18 =	sadd.s32 @!p0 s6, s18  }
0x1d: {  	s17 =	sand.u32 @!p0 $0x4000, s17;
	s18 =	sadd.s32 @!p0 s19, s18;
	s19 =	simm.s32 @!p0 $0x2000  }
0x1e: {  	[tilespmem:s17], [sflag:$0x1] =	stream.strided.gather @!p0 [hbm4b:s18+s19], $0x4000, s20, s19, $0x38;
	[tilespmem:$0x10000] =	vst v63  }
0x1f: {  	p0 =	sge.u32 s31, s5  }
.Ltmp2:
0x20: {  	_ = 	snop;
	(pc) =	sbr.rel @p0 .LBB1_9-.Ltmp2, $1  }
0x21: {  	_ =	sdelay $0x3  }
0x22: {  	s17 =	sshll.u32 s11, $0x2  }
0x23: {  	_ =	swait.ge [sflag:s4], $0x4000;
	s18 =	sshll.u32 s14, $0xE;
	s20 =	simm.s32 $0x0  }
0x24: {  	p1 =	por $0x1, $0x1;
	s17 =	sand.u32 $0x10000, s17;
	[sflag:s4] =	ssyncset.done $0x0  }
0x25: {  	s18 =	sand.u32 $0x4000, s18;
	s19 =	sshrl.u32 s17, $0x2;
	[sflag:s4] =	ssyncadd.s32 $0xFFFFC000  }
0x26: {  	s17 =	sor.u32 $0x8000, s18;
	s18 =	sadd.s32 $0x8040, s19;
	s19 =	sadd.s32 $0x40, s19  }
.LBB1_3:
0x27: {  	s20 =	sshll.u32 s20, $0x2  }
0x28: {  	p0 =	por p1, p1;
	s21 =	sshra.s32 s20, $0x2  }
0x29: {  	s22 =	simm.s32 $0x0;
	s20 =	sadd.s32 s21, s18;
	s21 =	sadd.s32 s21, s19  }
.LBB1_4:
0x2a: {  	v0 =	vmov s21;
	_ =	sdelay $0x3  }
0x2b: {  	s24 =	simm.s32 $0x0  }
0x2c: {  	v6 =	vld.idx.msk [tilespmem:v0+s24+$0x30 ss:$0x1], $0xffff  }
0x2d: {  	v7 =	vld.idx.msk [tilespmem:v0+s24+$0xFFFFFFC0 ss:$0x1], $0xffff  }
0x2e: {  	v5 =	vld.idx.msk [tilespmem:v0+s24+$0xFFFFFFD0 ss:$0x1], $0xffff  }
0x2f: {  	v4 =	vld.idx.msk [tilespmem:v0+s24+$0xFFFFFFE0 ss:$0x1], $0xffff  }
0x30: {  	v3 =	vld.idx.msk [tilespmem:v0+s24+$0xFFFFFFF0 ss:$0x1], $0xffff  }
0x31: {  	v1 =	vld.idx.msk [tilespmem:v0+s24+$0x0 ss:$0x1], $0xffff  }
0x32: {  	v2 =	vld.idx.msk [tilespmem:v0+s24+$0x10 ss:$0x1], $0xffff;
	[tilespmem:s20+$0x30] =	vst v6  }
0x33: {  	s23 =	simm.s32 $0x80;
	s25 =	simm.s32 $0x400;
	[tilespmem:s20+$0xFFFFFFC0] =	vst v7;
	v6 =	vld.idx.msk [tilespmem:v0+s24+$0x20 ss:$0x1], $0xffff;
	s24 =	smov.u32 s20  }
.LBB1_5:
0x34: {  	p1 =	sne.s32 s25, $0xE00;
	v7 =	vld.idx.msk [tilespmem:v0+s23+$0x30 ss:$0x1], $0xffff;
	[tilespmem:s24+$0xFFFFFFD0] =	vst v5  }
0x35: {  	v8 =	vld.idx.msk [tilespmem:v0+s23+$0xFFFFFFC0 ss:$0x1], $0xffff;
	[tilespmem:s24+$0xFFFFFFE0] =	vst v4  }
0x36: {  	v5 =	vld.idx.msk [tilespmem:v0+s23+$0xFFFFFFD0 ss:$0x1], $0xffff;
	[tilespmem:s24+$0xFFFFFFF0] =	vst v3  }
.Ltmp3:
0x37: {  	v4 =	vld.idx.msk [tilespmem:v0+s23+$0xFFFFFFE0 ss:$0x1], $0xffff;
	[tilespmem:s24+$0x0] =	vst v1;
	(pc) =	sbr.rel @p1 .LBB1_5-.Ltmp3, $4  }
0x38: {  	v3 =	vld.idx.msk [tilespmem:v0+s23+$0xFFFFFFF0 ss:$0x1], $0xffff;
	[tilespmem:s24+$0x10] =	vst v2  }
0x39: {  	v1 =	vld.idx.msk [tilespmem:v0+s23+$0x0 ss:$0x1], $0xffff;
	[tilespmem:s24+$0x20] =	vst v6;
	s24 =	sadd.s32 $0x400, s24  }
0x3a: {  	v2 =	vld.idx.msk [tilespmem:v0+s23+$0x10 ss:$0x1], $0xffff;
	[tilespmem:s24+$0x30] =	vst v7  }
0x3b: {  	[tilespmem:s24+$0xFFFFFFC0] =	vst v8;
	v6 =	vld.idx.msk [tilespmem:v0+s23+$0x20 ss:$0x1], $0xffff;
	s23 =	sshra.s32 s25, $0x2;
	s25 =	sadd.s32 $0x200, s25  }
0x3c: {  	_ =	sdelay $0x2  }
0x3d: {  	[tilespmem:s24+$0xFFFFFFD0] =	vst v5  }
0x3e: {  	v56 =	vld.idx.msk [tilespmem:v0+s23+$0x30 ss:$0x1], $0xffff;
	[tilespmem:s24+$0xFFFFFFE0] =	vst v4  }
0x3f: {  	v57 =	vld.idx.msk [tilespmem:v0+s23+$0xFFFFFFC0 ss:$0x1], $0xffff;
	[tilespmem:s24+$0xFFFFFFF0] =	vst v3  }
0x40: {  	v58 =	vld.idx.msk [tilespmem:v0+s23+$0xFFFFFFD0 ss:$0x1], $0xffff;
	[tilespmem:s24+$0x0] =	vst v1  }
0x41: {  	v59 =	vld.idx.msk [tilespmem:v0+s23+$0xFFFFFFE0 ss:$0x1], $0xffff;
	[tilespmem:s24+$0x10] =	vst v2  }
0x42: {  	v60 =	vld.idx.msk [tilespmem:v0+s23+$0xFFFFFFF0 ss:$0x1], $0xffff;
	s31 =	sadd.s32 $0x400, s24;
	[tilespmem:s24+$0x20] =	vst v6  }
0x43: {  	v61 =	vld.idx.msk [tilespmem:v0+s23+$0x0 ss:$0x1], $0xffff;
	[tilespmem:s31+$0x30] =	vst v56  }
0x44: {  	v62 =	vld.idx.msk [tilespmem:v0+s23+$0x10 ss:$0x1], $0xffff;
	s22 =	sadd.s32 $0x1, s22;
	[tilespmem:s31+$0xFFFFFFC0] =	vst v57  }
0x45: {  	v63 =	vld.idx.msk [tilespmem:v0+s23+$0x20 ss:$0x1], $0xffff;
	p1 =	sne.s32 s22, $0x8;
	[tilespmem:s31+$0xFFFFFFD0] =	vst v58  }
.Ltmp4:
0x46: {  	[tilespmem:s31+$0xFFFFFFE0] =	vst v59;
	(pc) =	sbr.rel @p1 .LBB1_4-.Ltmp4, $4  }
0x47: {  	[tilespmem:s31+$0xFFFFFFF0] =	vst v60  }
0x48: {  	[tilespmem:s31+$0x0] =	vst v61  }
0x49: {  	[tilespmem:s31+$0x10] =	vst v62  }
0x4a: {  	s20 =	sadd.s32 $0x80, s20;
	s21 =	sadd.s32 $0x400, s21;
	[tilespmem:s31+$0x20] =	vst v63  }
.Ltmp5:
0x4b: {  	(pc) =	sbr.rel @p0 .LBB1_3-.Ltmp5, $2  }
0x4c: {  	_ =	sdelay $0x2  }
0x4d: {  	s20 =	simm.s32 $0x2000;
	p1 =	por $0x0, $0x0  }
0x4e: {  	s15 =	sand.u32 $0x1FFFFFF, s15  }
0x4f: {  	s18 =	smulhi.u32 $0x8BCF65, s15;
	_ =	sdelay $0x1  }
0x50: {  	s16 =	smul.u32 $0x1D4C00, s16;
	s18 =	sshrl.u32 s18, $0x5  }
0x51: {  	s18 =	smul.u32 $0x3A98, s18  }
.Ltmp6:
0x52: {  	_ = 	snop;
	(pc) =	sbr.rel .LBB1_9-.Ltmp6, $4  }
0x53: {  	s15 =	ssub.s32 s15, s18  }
0x54: {  	s16 =	sadd.s32 s7, s16;
	s15 =	sshll.u32 s15, $0x4  }
0x55: {  	s15 =	sadd.s32 s15, s16  }
0x56: {  	[hbm4b:s15+s9] =	stream.strided.scatter [tilespmem:s17], [sflag:$0x2], $0x4000, s10, s9, $0x38;
	[tilespmem:$0x10000] =	vst v63  }
.LBB1_10:
0x57: {  	_ =	sfence.sel $0x180000  }
0x58: {  	s1 =	simm.s32 $0x1;
	[bflag:$0x0] =	sbarrier.arrive $0xFFFF  }
0x59: {  	s31 =	simm.s32 $0x2;
	[sflag:s1] =	ssyncpa.u1 $0x1  }
0x5a: {  	[sflag:s31] =	ssyncpa.u1 $0x1  }
0x5b: {  	p0 =	sne.s32 s0, $0x0;
	_ =	strace $0x90000050  }
0x5c: {  	s0 =	sadd.s32 @!p0 $0x100000, s3;
	[bflag:$0x2] =	sbarrier.arrive $0xFFFF  }
0x5d: {  	[sflag:s0] =	ssyncadd.tile.s32 @!p0 $0x1;
	_ =	shalt  }
.Lfunc_end1:
_tile_overlayer_lowered:
.L_overlay_start_2:
0x5e: {  	(tag) =	ssettag $0x2  }
0x5f: {  	s0 =	rddreg [dreg:$0x0];
	s2 =	stileid.u32  }
0x60: {  	s1 =	rddreg [dreg:$0x1];
	p0 =	sne.s32 s2, $0x0  }
0x61: {  	s3 =	rddreg [dreg:$0x2];
	[bflag:$0x3] =	sbarrier.arrive $0xFFFF;
	s2 =	simm.s32 @!p0 $0x1C01  }
0x62: {  	[timem:s3], [sflag:s2] =	dma.local @!p0 [hbm:s0], s1  }
0x63: {  	s0 =	simm.s32 @!p0 $0x1  }
0x64: {  	_ =	swait.ge @!p0 [sflag:s0], s1  }
0x65: {  	s1 =	ssub.s32 @!p0 $0x0, s1;
	[sflag:s0] =	ssyncset.done @!p0 $0x0  }
0x66: {  	[sflag:s0] =	ssyncadd.s32 @!p0 s1  }
0x67: {  	[bflag:$0x3] =	sbarrier.arrive $0xFFFF  }
0x68: {  	_ =	shalt  }

</sc_bundles>
